<compile_context>
chip_gen: v7x
topology: tpu7x:2x2x1
jax: 0.10.2.dev20260603
libtpu: 0.0.44.dev20260713+nightly
codegen_flags: <defaults>
</compile_context>

<pallas_src>
import jax
import jax.numpy as jnp
from jax import lax
from jax.experimental import pallas as pl
from jax.experimental.pallas import tpu as pltpu
from jax.experimental.pallas import tpu_sc as plsc

_N = 100000
_D = 3
_G = 1024
_NC = 2
_NS = 16
_NT = _NC * _NS
_ROWS = 3200
_NCH = _ROWS // 128
_ACC = 1040
_OVL = _NT * _ROWS - _N
_LAST_START = _N - _ROWS


def _stage1_body(a_hbm, b_hbm, bp_hbm, sums_hbm, counts_hbm,
                 a_v, b_v, idx_v, rm_v, ones_v, zero_v, chunk_v,
                 sums_sh, counts_sh, sem_in, sem_sc):
    c = lax.axis_index("c")
    s = lax.axis_index("s")
    wid = c * _NS + s

    ones16 = jnp.ones((16,), jnp.float32)
    zeros16 = jnp.zeros((16,), jnp.float32)

    start = jnp.where(wid == _NT - 1, _LAST_START, wid * _ROWS)
    off = pl.multiple_of(start, 8)
    descs = [pltpu.async_copy(bp_hbm.at[wid], idx_v, sem_in)]
    for k in range(_D):
        descs.append(
            pltpu.async_copy(a_hbm.at[pl.ds(off + k * _N, _ROWS)],
                             a_v.at[pl.ds(k * _ROWS, _ROWS)], sem_in))
        descs.append(
            pltpu.async_copy(b_hbm.at[pl.ds(off + k * _N, _ROWS)],
                             b_v.at[pl.ds(k * _ROWS, _ROWS)], sem_in))

    @plsc.parallel_loop(0, _ROWS, 16, unroll=8)
    def _fill_ones(i):
        ones_v[pl.ds(pl.multiple_of(i, 16), 16)] = ones16

    @pl.when(s == 0)
    def _zero_spmem():
        @plsc.parallel_loop(0, _ACC, 16, unroll=8)
        def _fz(i):
            zero_v[pl.ds(pl.multiple_of(i, 16), 16)] = zeros16
        pltpu.sync_copy(zero_v, sums_sh)
        pltpu.sync_copy(zero_v, counts_sh)

    for d in descs:
        d.wait()

    @plsc.parallel_loop(0, _ROWS, 16, unroll=4)
    def _body(i):
        i0 = pl.multiple_of(i, 16)
        g0 = a_v[pl.ds(i0, 16)]
        g1 = a_v[pl.ds(i0 + _ROWS, 16)]
        g2 = a_v[pl.ds(i0 + 2 * _ROWS, 16)]
        h0 = b_v[pl.ds(i0, 16)]
        h1 = b_v[pl.ds(i0 + _ROWS, 16)]
        h2 = b_v[pl.ds(i0 + 2 * _ROWS, 16)]
        e = jnp.abs(g0 - h0) + jnp.abs(g1 - h1) + jnp.abs(g2 - h2)
        rm_v[pl.ds(i0, 16)] = e

    plsc.subcore_barrier()

    descs = []
    for j in range(_NCH):
        descs.append(pltpu.async_copy(rm_v.at[pl.ds(j * 128, 128)],
                                      sums_sh.at[idx_v.at[j]], sem_sc,
                                      add=True))
        descs.append(pltpu.async_copy(ones_v.at[pl.ds(j * 128, 128)],
                                      counts_sh.at[idx_v.at[j]], sem_sc,
                                      add=True))
    for d in descs:
        d.wait()

    plsc.subcore_barrier()

    @pl.when(s < 8)
    def _writeout():
        off128 = pl.multiple_of(s * 128, 8)
        pltpu.sync_copy(sums_sh.at[pl.ds(off128, 128)], chunk_v)
        pltpu.sync_copy(chunk_v, sums_hbm.at[c, s])
        pltpu.sync_copy(counts_sh.at[pl.ds(off128, 128)], chunk_v)
        pltpu.sync_copy(chunk_v, counts_hbm.at[c, s])


_stage1 = pl.kernel(
    _stage1_body,
    out_type=(jax.ShapeDtypeStruct((_NC, 8, 128), jnp.float32),
              jax.ShapeDtypeStruct((_NC, 8, 128), jnp.float32)),
    mesh=plsc.VectorSubcoreMesh(core_axis_name="c", subcore_axis_name="s"),
    compiler_params=pltpu.CompilerParams(needs_layout_passes=False),
    scratch_types=(
        pltpu.VMEM((_ROWS * _D,), jnp.float32),
        pltpu.VMEM((_ROWS * _D,), jnp.float32),
        pltpu.VMEM((_NCH, 128), jnp.int32),
        pltpu.VMEM((_ROWS,), jnp.float32),
        pltpu.VMEM((_ROWS,), jnp.float32),
        pltpu.VMEM((_ACC,), jnp.float32),
        pltpu.VMEM((128,), jnp.float32),
        pltpu.VMEM_SHARED((_ACC,), jnp.float32),
        pltpu.VMEM_SHARED((_ACC,), jnp.float32),
        pltpu.SemaphoreType.DMA,
        pltpu.SemaphoreType.DMA,
    ),
)


def _stage2_body(sums_ref, counts_ref, err_ref, loss_ref):
    ssum = sums_ref[0] + sums_ref[1]
    cnt = counts_ref[0] + counts_ref[1]
    err_ref[...] = jnp.where(cnt > 0.0,
                             ssum / (3.0 * jnp.maximum(cnt, 1.0)),
                             0.0)
    loss_ref[...] = jnp.sum(ssum, keepdims=True).reshape(1, 1) * (1.0 / (_N * _D))


def kernel(input, target, batch):
    a = input.T.reshape(-1)
    b = target.T.reshape(-1)
    bi = batch.astype(jnp.int32)
    bp = jnp.concatenate([
        bi[:_LAST_START + _OVL],
        jnp.full((_OVL,), _G, jnp.int32),
        bi[_LAST_START + _OVL:],
    ]).reshape(_NT, _NCH, 128)

    sums, counts = _stage1(a, b, bp)

    err2d, loss2d = pl.pallas_call(
        _stage2_body,
        out_shape=(jax.ShapeDtypeStruct((8, 128), jnp.float32),
                   jax.ShapeDtypeStruct((1, 1), jnp.float32)),
    )(sums, counts)

    return (loss2d[0, 0], err2d.reshape(_G))

# --- scband reference (transcript-rebuilt; emitter-appended) ---
"""Pipeline reference for scband-l1-loss-forces-75153337745481 (READ-ONLY COPY).

The authoritative reference and input builder live on the scoring server;
editing this copy changes nothing except your own understanding.
"""

import jax, jax.numpy as jnp
import numpy as np

NUM_GRAPHS = 1024

def scatter_mean(src, index, num_segments):
    sums = jax.ops.segment_sum(src, index, num_segments=num_segments)
    counts = jax.ops.segment_sum(jnp.ones_like(src), index, num_segments=num_segments)
    return jnp.where(counts > 0, sums / jnp.maximum(counts, 1.0), 0.0)

def setup_inputs(seed: int = 0) -> dict:
    key = jax.random.key(seed)
    k1, k2, k3 = jax.random.split(key, 3)
    input = jax.random.normal(k1, (100000, 3), dtype=jnp.float32)
    target = jax.random.normal(k2, (100000, 3), dtype=jnp.float32)
    batch = jnp.sort(jax.random.randint(k3, (100000,), 0, NUM_GRAPHS, dtype=jnp.int64))
    return {"input": input, "target": target, "batch": batch}

def reference(input, target, batch):
    error = jnp.abs(input - target)
    loss = error.mean()
    error = jax.lax.stop_gradient(error)
    error = error.mean(axis=1)
    error = scatter_mean(error, batch, NUM_GRAPHS)
    return (loss, error)

if __name__ == "__main__":
    import jax
    _d = setup_inputs()
    print(jax.jit(kernel)(*tuple(_d.values())))

</pallas_src>

<mosaic_0001>
#map = affine_map<(d0, d1) -> (0)>
#map1 = affine_map<(d0, d1) -> (0, 0, 0)>
module attributes {stable_mosaic.version = 14 : i64} {
  func.func @_stage1_body(%arg0: i32, %arg1: i32, %arg2: memref<300000xf32, #tpu.memory_space<hbm>>, %arg3: memref<300000xf32, #tpu.memory_space<hbm>>, %arg4: memref<32x25x128xi32, #tpu.memory_space<hbm>>, %arg5: memref<2x8x128xf32, #tpu.memory_space<hbm>>, %arg6: memref<2x8x128xf32, #tpu.memory_space<hbm>>, %arg7: memref<9600xf32, #tpu.memory_space<vmem>>, %arg8: memref<9600xf32, #tpu.memory_space<vmem>>, %arg9: memref<25x128xi32, #tpu.memory_space<vmem>>, %arg10: memref<3200xf32, #tpu.memory_space<vmem>>, %arg11: memref<3200xf32, #tpu.memory_space<vmem>>, %arg12: memref<1040xf32, #tpu.memory_space<vmem>>, %arg13: memref<128xf32, #tpu.memory_space<vmem>>, %arg14: memref<1040xf32, #tpu.memory_space<vmem_shared>>, %arg15: memref<1040xf32, #tpu.memory_space<vmem_shared>>, %arg16: memref<!tpu.dma_semaphore, #tpu.memory_space<semaphore_mem>>, %arg17: memref<!tpu.dma_semaphore, #tpu.memory_space<semaphore_mem>>) attributes {dimension_semantics = [#tpu.dimension_semantics<core_parallel>, #tpu.dimension_semantics<subcore_parallel>], iteration_bounds = array<i64: 2, 16>, scalar_prefetch = 0 : i64, scratch_operands = 11 : i64, tpu.core_type = #tpu.core_type<sc_vector_subcore>, window_params = [{transform_indices = #map}, {transform_indices = #map}, {transform_indices = #map1}, {transform_indices = #map1}, {transform_indices = #map1}]} {
    %mul3A = arith.constant 16 : i32
    %mul3A_0 = arith.muli %arg0, %mul3A : i32
    %add3A = arith.addi %mul3A_0, %arg1 : i32
    %broadcast_in_dim3A = arith.constant 1.000000e+00 : f32
    %broadcast_in_dim3A_1 = vector.broadcast %broadcast_in_dim3A : f32 to vector<16xf32>
    %broadcast_in_dim3A_2 = arith.constant 0.000000e+00 : f32
    %broadcast_in_dim3A_3 = vector.broadcast %broadcast_in_dim3A_2 : f32 to vector<16xf32>
    %eq3A = arith.constant 31 : i32
    %eq3A_4 = arith.cmpi eq, %add3A, %eq3A : i32
    %mul3A_5 = arith.constant 3200 : i32
    %mul3A_6 = arith.muli %add3A, %mul3A_5 : i32
    %jit3A = arith.constant 96800 : i32
    %select_n3A = arith.select %eq3A_4, %jit3A, %mul3A_6 : i32
    %multiple_of3A = tpu.assume_multiple %select_n3A, 8 : i32
    %dma_start3A = arith.constant 0 : i32
    %dma_start3A_7 = arith.constant 0 : i32
    %dma_start3A_8 = tpu.memref_slice %arg4[%add3A, %dma_start3A, %dma_start3A_7] : memref<32x25x128xi32, #tpu.memory_space<hbm>> -> memref<1x25x128xi32, #tpu.memory_space<hbm>>
    %dma_start3A_9 = tpu.memref_squeeze %dma_start3A_8 : memref<1x25x128xi32, #tpu.memory_space<hbm>> -> memref<25x128xi32, #tpu.memory_space<hbm>>
    %dma_start3A_10 = arith.constant 0 : i32
    %dma_start3A_11 = arith.constant 0 : i32
    %dma_start3A_12 = tpu.memref_slice %arg4[%add3A, %dma_start3A_10, %dma_start3A_11] : memref<32x25x128xi32, #tpu.memory_space<hbm>> -> memref<1x25x128xi32, #tpu.memory_space<hbm>>
    %dma_start3A_13 = tpu.memref_squeeze %dma_start3A_12 : memref<1x25x128xi32, #tpu.memory_space<hbm>> -> memref<25x128xi32, #tpu.memory_space<hbm>>
    tpu.enqueue_dma source(%dma_start3A_13 : memref<25x128xi32, #tpu.memory_space<hbm>>) target(%arg9 : memref<25x128xi32, #tpu.memory_space<vmem>>) target_semaphore(%arg16 : memref<!tpu.dma_semaphore, #tpu.memory_space<semaphore_mem>>)
    %add3A_14 = arith.constant 0 : i32
    %add3A_15 = arith.addi %multiple_of3A, %add3A_14 : i32
    %dma_start3A_16 = arith.constant 0 : i32
    %dma_start3A_17 = tpu.memref_slice %arg7[%dma_start3A_16] : memref<9600xf32, #tpu.memory_space<vmem>> -> memref<3200xf32, #tpu.memory_space<vmem>>
    %dma_start3A_18 = tpu.memref_slice %arg2[%add3A_15] : memref<300000xf32, #tpu.memory_space<hbm>> -> memref<3200xf32, #tpu.memory_space<hbm>>
    %dma_start3A_19 = arith.constant 0 : i32
    %dma_start3A_20 = tpu.memref_slice %arg7[%dma_start3A_19] : memref<9600xf32, #tpu.memory_space<vmem>> -> memref<3200xf32, #tpu.memory_space<vmem>>
    %dma_start3A_21 = tpu.memref_slice %arg2[%add3A_15] : memref<300000xf32, #tpu.memory_space<hbm>> -> memref<3200xf32, #tpu.memory_space<hbm>>
    tpu.enqueue_dma source(%dma_start3A_21 : memref<3200xf32, #tpu.memory_space<hbm>>) target(%dma_start3A_20 : memref<3200xf32, #tpu.memory_space<vmem>>) target_semaphore(%arg16 : memref<!tpu.dma_semaphore, #tpu.memory_space<semaphore_mem>>)
    %add3A_22 = arith.constant 0 : i32
    %add3A_23 = arith.addi %multiple_of3A, %add3A_22 : i32
    %dma_start3A_24 = arith.constant 0 : i32
    %dma_start3A_25 = tpu.memref_slice %arg8[%dma_start3A_24] : memref<9600xf32, #tpu.memory_space<vmem>> -> memref<3200xf32, #tpu.memory_space<vmem>>
    %dma_start3A_26 = tpu.memref_slice %arg3[%add3A_23] : memref<300000xf32, #tpu.memory_space<hbm>> -> memref<3200xf32, #tpu.memory_space<hbm>>
    %dma_start3A_27 = arith.constant 0 : i32
    %dma_start3A_28 = tpu.memref_slice %arg8[%dma_start3A_27] : memref<9600xf32, #tpu.memory_space<vmem>> -> memref<3200xf32, #tpu.memory_space<vmem>>
    %dma_start3A_29 = tpu.memref_slice %arg3[%add3A_23] : memref<300000xf32, #tpu.memory_space<hbm>> -> memref<3200xf32, #tpu.memory_space<hbm>>
    tpu.enqueue_dma source(%dma_start3A_29 : memref<3200xf32, #tpu.memory_space<hbm>>) target(%dma_start3A_28 : memref<3200xf32, #tpu.memory_space<vmem>>) target_semaphore(%arg16 : memref<!tpu.dma_semaphore, #tpu.memory_space<semaphore_mem>>)
    %add3A_30 = arith.constant 100000 : i32
    %add3A_31 = arith.addi %multiple_of3A, %add3A_30 : i32
    %dma_start3A_32 = arith.constant 3200 : i32
    %dma_start3A_33 = tpu.memref_slice %arg7[%dma_start3A_32] : memref<9600xf32, #tpu.memory_space<vmem>> -> memref<3200xf32, #tpu.memory_space<vmem>>
    %dma_start3A_34 = tpu.memref_slice %arg2[%add3A_31] : memref<300000xf32, #tpu.memory_space<hbm>> -> memref<3200xf32, #tpu.memory_space<hbm>>
    %dma_start3A_35 = arith.constant 3200 : i32
    %dma_start3A_36 = tpu.memref_slice %arg7[%dma_start3A_35] : memref<9600xf32, #tpu.memory_space<vmem>> -> memref<3200xf32, #tpu.memory_space<vmem>>
    %dma_start3A_37 = tpu.memref_slice %arg2[%add3A_31] : memref<300000xf32, #tpu.memory_space<hbm>> -> memref<3200xf32, #tpu.memory_space<hbm>>
    tpu.enqueue_dma source(%dma_start3A_37 : memref<3200xf32, #tpu.memory_space<hbm>>) target(%dma_start3A_36 : memref<3200xf32, #tpu.memory_space<vmem>>) target_semaphore(%arg16 : memref<!tpu.dma_semaphore, #tpu.memory_space<semaphore_mem>>)
    %add3A_38 = arith.constant 100000 : i32
    %add3A_39 = arith.addi %multiple_of3A, %add3A_38 : i32
    %dma_start3A_40 = arith.constant 3200 : i32
    %dma_start3A_41 = tpu.memref_slice %arg8[%dma_start3A_40] : memref<9600xf32, #tpu.memory_space<vmem>> -> memref<3200xf32, #tpu.memory_space<vmem>>
    %dma_start3A_42 = tpu.memref_slice %arg3[%add3A_39] : memref<300000xf32, #tpu.memory_space<hbm>> -> memref<3200xf32, #tpu.memory_space<hbm>>
    %dma_start3A_43 = arith.constant 3200 : i32
    %dma_start3A_44 = tpu.memref_slice %arg8[%dma_start3A_43] : memref<9600xf32, #tpu.memory_space<vmem>> -> memref<3200xf32, #tpu.memory_space<vmem>>
    %dma_start3A_45 = tpu.memref_slice %arg3[%add3A_39] : memref<300000xf32, #tpu.memory_space<hbm>> -> memref<3200xf32, #tpu.memory_space<hbm>>
    tpu.enqueue_dma source(%dma_start3A_45 : memref<3200xf32, #tpu.memory_space<hbm>>) target(%dma_start3A_44 : memref<3200xf32, #tpu.memory_space<vmem>>) target_semaphore(%arg16 : memref<!tpu.dma_semaphore, #tpu.memory_space<semaphore_mem>>)
    %add3A_46 = arith.constant 200000 : i32
    %add3A_47 = arith.addi %multiple_of3A, %add3A_46 : i32
    %dma_start3A_48 = arith.constant 6400 : i32
    %dma_start3A_49 = tpu.memref_slice %arg7[%dma_start3A_48] : memref<9600xf32, #tpu.memory_space<vmem>> -> memref<3200xf32, #tpu.memory_space<vmem>>
    %dma_start3A_50 = tpu.memref_slice %arg2[%add3A_47] : memref<300000xf32, #tpu.memory_space<hbm>> -> memref<3200xf32, #tpu.memory_space<hbm>>
    %dma_start3A_51 = arith.constant 6400 : i32
    %dma_start3A_52 = tpu.memref_slice %arg7[%dma_start3A_51] : memref<9600xf32, #tpu.memory_space<vmem>> -> memref<3200xf32, #tpu.memory_space<vmem>>
    %dma_start3A_53 = tpu.memref_slice %arg2[%add3A_47] : memref<300000xf32, #tpu.memory_space<hbm>> -> memref<3200xf32, #tpu.memory_space<hbm>>
    tpu.enqueue_dma source(%dma_start3A_53 : memref<3200xf32, #tpu.memory_space<hbm>>) target(%dma_start3A_52 : memref<3200xf32, #tpu.memory_space<vmem>>) target_semaphore(%arg16 : memref<!tpu.dma_semaphore, #tpu.memory_space<semaphore_mem>>)
    %add3A_54 = arith.constant 200000 : i32
    %add3A_55 = arith.addi %multiple_of3A, %add3A_54 : i32
    %dma_start3A_56 = arith.constant 6400 : i32
    %dma_start3A_57 = tpu.memref_slice %arg8[%dma_start3A_56] : memref<9600xf32, #tpu.memory_space<vmem>> -> memref<3200xf32, #tpu.memory_space<vmem>>
    %dma_start3A_58 = tpu.memref_slice %arg3[%add3A_55] : memref<300000xf32, #tpu.memory_space<hbm>> -> memref<3200xf32, #tpu.memory_space<hbm>>
    %dma_start3A_59 = arith.constant 6400 : i32
    %dma_start3A_60 = tpu.memref_slice %arg8[%dma_start3A_59] : memref<9600xf32, #tpu.memory_space<vmem>> -> memref<3200xf32, #tpu.memory_space<vmem>>
    %dma_start3A_61 = tpu.memref_slice %arg3[%add3A_55] : memref<300000xf32, #tpu.memory_space<hbm>> -> memref<3200xf32, #tpu.memory_space<hbm>>
    tpu.enqueue_dma source(%dma_start3A_61 : memref<3200xf32, #tpu.memory_space<hbm>>) target(%dma_start3A_60 : memref<3200xf32, #tpu.memory_space<vmem>>) target_semaphore(%arg16 : memref<!tpu.dma_semaphore, #tpu.memory_space<semaphore_mem>>)
    %parallel_loop3A = arith.constant 0 : i32
    %parallel_loop3A_62 = arith.constant 3200 : i32
    %parallel_loop3A_63 = arith.constant 16 : i32
    scf.for %parallel_loop3A_918 = %parallel_loop3A to %parallel_loop3A_62 step %parallel_loop3A_63  : i32 {
      %parallel_loop3A_919 = tpu.assume_multiple %parallel_loop3A_918, 16 : i32
      %parallel_loop3A_920 = arith.index_cast %parallel_loop3A_919 : i32 to index
      %parallel_loop3A_921 = tpu.vector_load %arg11[%parallel_loop3A_920] {strides = array<i32>} : memref<3200xf32, #tpu.memory_space<vmem>>, vector<16xf32>,
      tpu.vector_store %arg11[%parallel_loop3A_920], %broadcast_in_dim3A_1 {strides = array<i32>} : memref<3200xf32, #tpu.memory_space<vmem>>, vector<16xf32>,
    } {sc.loop_unroll_factor = 8 : i64, sc.parallel_access}
    %eq3A_64 = arith.constant 0 : i32
    %eq3A_65 = arith.cmpi eq, %arg1, %eq3A_64 : i32
    %convert_element_type3A = arith.extui %eq3A_65 : i1 to i32
    %cond3A = arith.constant 0 : i32
    %cond3A_66 = arith.cmpi ne, %convert_element_type3A, %cond3A : i32
    scf.if %cond3A_66 {
      %parallel_loop3A_918 = arith.constant 0 : i32
      %parallel_loop3A_919 = arith.constant 1040 : i32
      %parallel_loop3A_920 = arith.constant 16 : i32
      scf.for %parallel_loop3A_921 = %parallel_loop3A_918 to %parallel_loop3A_919 step %parallel_loop3A_920  : i32 {
        %parallel_loop3A_922 = tpu.assume_multiple %parallel_loop3A_921, 16 : i32
        %parallel_loop3A_923 = arith.index_cast %parallel_loop3A_922 : i32 to index
        %parallel_loop3A_924 = tpu.vector_load %arg12[%parallel_loop3A_923] {strides = array<i32>} : memref<1040xf32, #tpu.memory_space<vmem>>, vector<16xf32>,
        tpu.vector_store %arg12[%parallel_loop3A_923], %broadcast_in_dim3A_3 {strides = array<i32>} : memref<1040xf32, #tpu.memory_space<vmem>>, vector<16xf32>,
      } {sc.loop_unroll_factor = 8 : i64, sc.parallel_access}
      "tpu.region"() ({
        %run_scoped3A = tpu.sem_alloc : memref<!tpu.dma_semaphore, #tpu.memory_space<semaphore_mem>>
        tpu.enqueue_dma source(%arg12 : memref<1040xf32, #tpu.memory_space<vmem>>) target(%arg14 : memref<1040xf32, #tpu.memory_space<vmem_shared>>) target_semaphore(%run_scoped3A : memref<!tpu.dma_semaphore, #tpu.memory_space<semaphore_mem>>)
        tpu.wait_dma2 semaphore(%run_scoped3A : memref<!tpu.dma_semaphore, #tpu.memory_space<semaphore_mem>>) src(%arg12 : memref<1040xf32, #tpu.memory_space<vmem>>) dst(%arg14 : memref<1040xf32, #tpu.memory_space<vmem_shared>>)
        tpu.yield
      }) : () -> ()
      "tpu.region"() ({
        %run_scoped3A = tpu.sem_alloc : memref<!tpu.dma_semaphore, #tpu.memory_space<semaphore_mem>>
        tpu.enqueue_dma source(%arg12 : memref<1040xf32, #tpu.memory_space<vmem>>) target(%arg15 : memref<1040xf32, #tpu.memory_space<vmem_shared>>) target_semaphore(%run_scoped3A : memref<!tpu.dma_semaphore, #tpu.memory_space<semaphore_mem>>)
        tpu.wait_dma2 semaphore(%run_scoped3A : memref<!tpu.dma_semaphore, #tpu.memory_space<semaphore_mem>>) src(%arg12 : memref<1040xf32, #tpu.memory_space<vmem>>) dst(%arg15 : memref<1040xf32, #tpu.memory_space<vmem_shared>>)
        tpu.yield
      }) : () -> ()
    } else {
    }
    %dma_wait3A = arith.constant 0 : i32
    %dma_wait3A_67 = arith.constant 0 : i32
    %dma_wait3A_68 = tpu.memref_slice %arg4[%add3A, %dma_wait3A, %dma_wait3A_67] : memref<32x25x128xi32, #tpu.memory_space<hbm>> -> memref<1x25x128xi32, #tpu.memory_space<hbm>>
    %dma_wait3A_69 = tpu.memref_squeeze %dma_wait3A_68 : memref<1x25x128xi32, #tpu.memory_space<hbm>> -> memref<25x128xi32, #tpu.memory_space<hbm>>
    %dma_wait3A_70 = arith.constant 0 : i32
    %dma_wait3A_71 = arith.constant 0 : i32
    %dma_wait3A_72 = tpu.memref_slice %arg4[%add3A, %dma_wait3A_70, %dma_wait3A_71] : memref<32x25x128xi32, #tpu.memory_space<hbm>> -> memref<1x25x128xi32, #tpu.memory_space<hbm>>
    %dma_wait3A_73 = tpu.memref_squeeze %dma_wait3A_72 : memref<1x25x128xi32, #tpu.memory_space<hbm>> -> memref<25x128xi32, #tpu.memory_space<hbm>>
    tpu.wait_dma2 semaphore(%arg16 : memref<!tpu.dma_semaphore, #tpu.memory_space<semaphore_mem>>) src(%dma_wait3A_73 : memref<25x128xi32, #tpu.memory_space<hbm>>) dst(%arg9 : memref<25x128xi32, #tpu.memory_space<vmem>>)
    %dma_wait3A_74 = arith.constant 0 : i32
    %dma_wait3A_75 = tpu.memref_slice %arg7[%dma_wait3A_74] : memref<9600xf32, #tpu.memory_space<vmem>> -> memref<3200xf32, #tpu.memory_space<vmem>>
    %dma_wait3A_76 = tpu.memref_slice %arg2[%add3A_15] : memref<300000xf32, #tpu.memory_space<hbm>> -> memref<3200xf32, #tpu.memory_space<hbm>>
    %dma_wait3A_77 = arith.constant 0 : i32
    %dma_wait3A_78 = tpu.memref_slice %arg7[%dma_wait3A_77] : memref<9600xf32, #tpu.memory_space<vmem>> -> memref<3200xf32, #tpu.memory_space<vmem>>
    %dma_wait3A_79 = tpu.memref_slice %arg2[%add3A_15] : memref<300000xf32, #tpu.memory_space<hbm>> -> memref<3200xf32, #tpu.memory_space<hbm>>
    tpu.wait_dma2 semaphore(%arg16 : memref<!tpu.dma_semaphore, #tpu.memory_space<semaphore_mem>>) src(%dma_wait3A_79 : memref<3200xf32, #tpu.memory_space<hbm>>) dst(%dma_wait3A_78 : memref<3200xf32, #tpu.memory_space<vmem>>)
    %dma_wait3A_80 = arith.constant 0 : i32
    %dma_wait3A_81 = tpu.memref_slice %arg8[%dma_wait3A_80] : memref<9600xf32, #tpu.memory_space<vmem>> -> memref<3200xf32, #tpu.memory_space<vmem>>
    %dma_wait3A_82 = tpu.memref_slice %arg3[%add3A_23] : memref<300000xf32, #tpu.memory_space<hbm>> -> memref<3200xf32, #tpu.memory_space<hbm>>
    %dma_wait3A_83 = arith.constant 0 : i32
    %dma_wait3A_84 = tpu.memref_slice %arg8[%dma_wait3A_83] : memref<9600xf32, #tpu.memory_space<vmem>> -> memref<3200xf32, #tpu.memory_space<vmem>>
    %dma_wait3A_85 = tpu.memref_slice %arg3[%add3A_23] : memref<300000xf32, #tpu.memory_space<hbm>> -> memref<3200xf32, #tpu.memory_space<hbm>>
    tpu.wait_dma2 semaphore(%arg16 : memref<!tpu.dma_semaphore, #tpu.memory_space<semaphore_mem>>) src(%dma_wait3A_85 : memref<3200xf32, #tpu.memory_space<hbm>>) dst(%dma_wait3A_84 : memref<3200xf32, #tpu.memory_space<vmem>>)
    %dma_wait3A_86 = arith.constant 3200 : i32
    %dma_wait3A_87 = tpu.memref_slice %arg7[%dma_wait3A_86] : memref<9600xf32, #tpu.memory_space<vmem>> -> memref<3200xf32, #tpu.memory_space<vmem>>
    %dma_wait3A_88 = tpu.memref_slice %arg2[%add3A_31] : memref<300000xf32, #tpu.memory_space<hbm>> -> memref<3200xf32, #tpu.memory_space<hbm>>
    %dma_wait3A_89 = arith.constant 3200 : i32
    %dma_wait3A_90 = tpu.memref_slice %arg7[%dma_wait3A_89] : memref<9600xf32, #tpu.memory_space<vmem>> -> memref<3200xf32, #tpu.memory_space<vmem>>
    %dma_wait3A_91 = tpu.memref_slice %arg2[%add3A_31] : memref<300000xf32, #tpu.memory_space<hbm>> -> memref<3200xf32, #tpu.memory_space<hbm>>
    tpu.wait_dma2 semaphore(%arg16 : memref<!tpu.dma_semaphore, #tpu.memory_space<semaphore_mem>>) src(%dma_wait3A_91 : memref<3200xf32, #tpu.memory_space<hbm>>) dst(%dma_wait3A_90 : memref<3200xf32, #tpu.memory_space<vmem>>)
    %dma_wait3A_92 = arith.constant 3200 : i32
    %dma_wait3A_93 = tpu.memref_slice %arg8[%dma_wait3A_92] : memref<9600xf32, #tpu.memory_space<vmem>> -> memref<3200xf32, #tpu.memory_space<vmem>>
    %dma_wait3A_94 = tpu.memref_slice %arg3[%add3A_39] : memref<300000xf32, #tpu.memory_space<hbm>> -> memref<3200xf32, #tpu.memory_space<hbm>>
    %dma_wait3A_95 = arith.constant 3200 : i32
    %dma_wait3A_96 = tpu.memref_slice %arg8[%dma_wait3A_95] : memref<9600xf32, #tpu.memory_space<vmem>> -> memref<3200xf32, #tpu.memory_space<vmem>>
    %dma_wait3A_97 = tpu.memref_slice %arg3[%add3A_39] : memref<300000xf32, #tpu.memory_space<hbm>> -> memref<3200xf32, #tpu.memory_space<hbm>>
    tpu.wait_dma2 semaphore(%arg16 : memref<!tpu.dma_semaphore, #tpu.memory_space<semaphore_mem>>) src(%dma_wait3A_97 : memref<3200xf32, #tpu.memory_space<hbm>>) dst(%dma_wait3A_96 : memref<3200xf32, #tpu.memory_space<vmem>>)
    %dma_wait3A_98 = arith.constant 6400 : i32
    %dma_wait3A_99 = tpu.memref_slice %arg7[%dma_wait3A_98] : memref<9600xf32, #tpu.memory_space<vmem>> -> memref<3200xf32, #tpu.memory_space<vmem>>
    %dma_wait3A_100 = tpu.memref_slice %arg2[%add3A_47] : memref<300000xf32, #tpu.memory_space<hbm>> -> memref<3200xf32, #tpu.memory_space<hbm>>
    %dma_wait3A_101 = arith.constant 6400 : i32
    %dma_wait3A_102 = tpu.memref_slice %arg7[%dma_wait3A_101] : memref<9600xf32, #tpu.memory_space<vmem>> -> memref<3200xf32, #tpu.memory_space<vmem>>
    %dma_wait3A_103 = tpu.memref_slice %arg2[%add3A_47] : memref<300000xf32, #tpu.memory_space<hbm>> -> memref<3200xf32, #tpu.memory_space<hbm>>
    tpu.wait_dma2 semaphore(%arg16 : memref<!tpu.dma_semaphore, #tpu.memory_space<semaphore_mem>>) src(%dma_wait3A_103 : memref<3200xf32, #tpu.memory_space<hbm>>) dst(%dma_wait3A_102 : memref<3200xf32, #tpu.memory_space<vmem>>)
    %dma_wait3A_104 = arith.constant 6400 : i32
    %dma_wait3A_105 = tpu.memref_slice %arg8[%dma_wait3A_104] : memref<9600xf32, #tpu.memory_space<vmem>> -> memref<3200xf32, #tpu.memory_space<vmem>>
    %dma_wait3A_106 = tpu.memref_slice %arg3[%add3A_55] : memref<300000xf32, #tpu.memory_space<hbm>> -> memref<3200xf32, #tpu.memory_space<hbm>>
    %dma_wait3A_107 = arith.constant 6400 : i32
    %dma_wait3A_108 = tpu.memref_slice %arg8[%dma_wait3A_107] : memref<9600xf32, #tpu.memory_space<vmem>> -> memref<3200xf32, #tpu.memory_space<vmem>>
    %dma_wait3A_109 = tpu.memref_slice %arg3[%add3A_55] : memref<300000xf32, #tpu.memory_space<hbm>> -> memref<3200xf32, #tpu.memory_space<hbm>>
    tpu.wait_dma2 semaphore(%arg16 : memref<!tpu.dma_semaphore, #tpu.memory_space<semaphore_mem>>) src(%dma_wait3A_109 : memref<3200xf32, #tpu.memory_space<hbm>>) dst(%dma_wait3A_108 : memref<3200xf32, #tpu.memory_space<vmem>>)
    %parallel_loop3A_110 = arith.constant 0 : i32
    %parallel_loop3A_111 = arith.constant 3200 : i32
    %parallel_loop3A_112 = arith.constant 16 : i32
    scf.for %parallel_loop3A_918 = %parallel_loop3A_110 to %parallel_loop3A_111 step %parallel_loop3A_112  : i32 {
      %parallel_loop3A_919 = tpu.assume_multiple %parallel_loop3A_918, 16 : i32
      %parallel_loop3A_920 = arith.index_cast %parallel_loop3A_919 : i32 to index
      %parallel_loop3A_921 = tpu.vector_load %arg7[%parallel_loop3A_920] {strides = array<i32>} : memref<9600xf32, #tpu.memory_space<vmem>>, vector<16xf32>,
      %parallel_loop3A_922 = arith.constant 3200 : i32
      %parallel_loop3A_923 = arith.addi %parallel_loop3A_919, %parallel_loop3A_922 : i32
      %parallel_loop3A_924 = arith.index_cast %parallel_loop3A_923 : i32 to index
      %parallel_loop3A_925 = tpu.vector_load %arg7[%parallel_loop3A_924] {strides = array<i32>} : memref<9600xf32, #tpu.memory_space<vmem>>, vector<16xf32>,
      %parallel_loop3A_926 = arith.constant 6400 : i32
      %parallel_loop3A_927 = arith.addi %parallel_loop3A_919, %parallel_loop3A_926 : i32
      %parallel_loop3A_928 = arith.index_cast %parallel_loop3A_927 : i32 to index
      %parallel_loop3A_929 = tpu.vector_load %arg7[%parallel_loop3A_928] {strides = array<i32>} : memref<9600xf32, #tpu.memory_space<vmem>>, vector<16xf32>,
      %parallel_loop3A_930 = arith.index_cast %parallel_loop3A_919 : i32 to index
      %parallel_loop3A_931 = tpu.vector_load %arg8[%parallel_loop3A_930] {strides = array<i32>} : memref<9600xf32, #tpu.memory_space<vmem>>, vector<16xf32>,
      %parallel_loop3A_932 = arith.constant 3200 : i32
      %parallel_loop3A_933 = arith.addi %parallel_loop3A_919, %parallel_loop3A_932 : i32
      %parallel_loop3A_934 = arith.index_cast %parallel_loop3A_933 : i32 to index
      %parallel_loop3A_935 = tpu.vector_load %arg8[%parallel_loop3A_934] {strides = array<i32>} : memref<9600xf32, #tpu.memory_space<vmem>>, vector<16xf32>,
      %parallel_loop3A_936 = arith.constant 6400 : i32
      %parallel_loop3A_937 = arith.addi %parallel_loop3A_919, %parallel_loop3A_936 : i32
      %parallel_loop3A_938 = arith.index_cast %parallel_loop3A_937 : i32 to index
      %parallel_loop3A_939 = tpu.vector_load %arg8[%parallel_loop3A_938] {strides = array<i32>} : memref<9600xf32, #tpu.memory_space<vmem>>, vector<16xf32>,
      %parallel_loop3A_940 = arith.subf %parallel_loop3A_921, %parallel_loop3A_931 : vector<16xf32>
      %parallel_loop3A_941 = math.absf %parallel_loop3A_940 : vector<16xf32>
      %parallel_loop3A_942 = arith.subf %parallel_loop3A_925, %parallel_loop3A_935 : vector<16xf32>
      %parallel_loop3A_943 = math.absf %parallel_loop3A_942 : vector<16xf32>
      %parallel_loop3A_944 = arith.addf %parallel_loop3A_941, %parallel_loop3A_943 : vector<16xf32>
      %parallel_loop3A_945 = arith.subf %parallel_loop3A_929, %parallel_loop3A_939 : vector<16xf32>
      %parallel_loop3A_946 = math.absf %parallel_loop3A_945 : vector<16xf32>
      %parallel_loop3A_947 = arith.addf %parallel_loop3A_944, %parallel_loop3A_946 : vector<16xf32>
      %parallel_loop3A_948 = arith.index_cast %parallel_loop3A_919 : i32 to index
      %parallel_loop3A_949 = tpu.vector_load %arg10[%parallel_loop3A_948] {strides = array<i32>} : memref<3200xf32, #tpu.memory_space<vmem>>, vector<16xf32>,
      tpu.vector_store %arg10[%parallel_loop3A_948], %parallel_loop3A_947 {strides = array<i32>} : memref<3200xf32, #tpu.memory_space<vmem>>, vector<16xf32>,
    } {sc.loop_unroll_factor = 4 : i64, sc.parallel_access}
    %barrier3A = arith.constant 0 : index
    tpu.barrier barrier_id(%barrier3A)
    %dma_start3A_113 = arith.constant 0 : i32
    %dma_start3A_114 = arith.constant 0 : i32
    %dma_start3A_115 = tpu.memref_slice %arg10[%dma_start3A_114] : memref<3200xf32, #tpu.memory_space<vmem>> -> memref<128xf32, #tpu.memory_space<vmem>>
    %dma_start3A_116 = arith.constant 0 : i32
    %dma_start3A_117 = tpu.memref_slice %arg9[%dma_start3A_113, %dma_start3A_116] : memref<25x128xi32, #tpu.memory_space<vmem>> -> memref<1x128xi32, #tpu.memory_space<vmem>>
    %dma_start3A_118 = tpu.memref_squeeze %dma_start3A_117 : memref<1x128xi32, #tpu.memory_space<vmem>> -> memref<128xi32, #tpu.memory_space<vmem>>
    %dma_start3A_119 = arith.constant 0 : i32
    %dma_start3A_120 = tpu.memref_slice %arg14[%dma_start3A_119] : memref<1040xf32, #tpu.memory_space<vmem_shared>> -> memref<1040xf32, #tpu.memory_space<vmem_shared>>
    tpu.enqueue_indirect_dma source(%dma_start3A_115 : memref<128xf32, #tpu.memory_space<vmem>>) target(%dma_start3A_120 : memref<1040xf32, #tpu.memory_space<vmem_shared>>) offsets(%dma_start3A_118 : memref<128xi32, #tpu.memory_space<vmem>>) semaphore(%arg17 : memref<!tpu.dma_semaphore, #tpu.memory_space<semaphore_mem>>) {add = true}
    %dma_start3A_121 = arith.constant 0 : i32
    %dma_start3A_122 = arith.constant 0 : i32
    %dma_start3A_123 = tpu.memref_slice %arg11[%dma_start3A_122] : memref<3200xf32, #tpu.memory_space<vmem>> -> memref<128xf32, #tpu.memory_space<vmem>>
    %dma_start3A_124 = arith.constant 0 : i32
    %dma_start3A_125 = tpu.memref_slice %arg9[%dma_start3A_121, %dma_start3A_124] : memref<25x128xi32, #tpu.memory_space<vmem>> -> memref<1x128xi32, #tpu.memory_space<vmem>>
    %dma_start3A_126 = tpu.memref_squeeze %dma_start3A_125 : memref<1x128xi32, #tpu.memory_space<vmem>> -> memref<128xi32, #tpu.memory_space<vmem>>
    %dma_start3A_127 = arith.constant 0 : i32
    %dma_start3A_128 = tpu.memref_slice %arg15[%dma_start3A_127] : memref<1040xf32, #tpu.memory_space<vmem_shared>> -> memref<1040xf32, #tpu.memory_space<vmem_shared>>
    tpu.enqueue_indirect_dma source(%dma_start3A_123 : memref<128xf32, #tpu.memory_space<vmem>>) target(%dma_start3A_128 : memref<1040xf32, #tpu.memory_space<vmem_shared>>) offsets(%dma_start3A_126 : memref<128xi32, #tpu.memory_space<vmem>>) semaphore(%arg17 : memref<!tpu.dma_semaphore, #tpu.memory_space<semaphore_mem>>) {add = true}
    %dma_start3A_129 = arith.constant 1 : i32
    %dma_start3A_130 = arith.constant 128 : i32
    %dma_start3A_131 = tpu.memref_slice %arg10[%dma_start3A_130] : memref<3200xf32, #tpu.memory_space<vmem>> -> memref<128xf32, #tpu.memory_space<vmem>>
    %dma_start3A_132 = arith.constant 0 : i32
    %dma_start3A_133 = tpu.memref_slice %arg9[%dma_start3A_129, %dma_start3A_132] : memref<25x128xi32, #tpu.memory_space<vmem>> -> memref<1x128xi32, #tpu.memory_space<vmem>>
    %dma_start3A_134 = tpu.memref_squeeze %dma_start3A_133 : memref<1x128xi32, #tpu.memory_space<vmem>> -> memref<128xi32, #tpu.memory_space<vmem>>
    %dma_start3A_135 = arith.constant 0 : i32
    %dma_start3A_136 = tpu.memref_slice %arg14[%dma_start3A_135] : memref<1040xf32, #tpu.memory_space<vmem_shared>> -> memref<1040xf32, #tpu.memory_space<vmem_shared>>
    tpu.enqueue_indirect_dma source(%dma_start3A_131 : memref<128xf32, #tpu.memory_space<vmem>>) target(%dma_start3A_136 : memref<1040xf32, #tpu.memory_space<vmem_shared>>) offsets(%dma_start3A_134 : memref<128xi32, #tpu.memory_space<vmem>>) semaphore(%arg17 : memref<!tpu.dma_semaphore, #tpu.memory_space<semaphore_mem>>) {add = true}
    %dma_start3A_137 = arith.constant 1 : i32
    %dma_start3A_138 = arith.constant 128 : i32
    %dma_start3A_139 = tpu.memref_slice %arg11[%dma_start3A_138] : memref<3200xf32, #tpu.memory_space<vmem>> -> memref<128xf32, #tpu.memory_space<vmem>>
    %dma_start3A_140 = arith.constant 0 : i32
    %dma_start3A_141 = tpu.memref_slice %arg9[%dma_start3A_137, %dma_start3A_140] : memref<25x128xi32, #tpu.memory_space<vmem>> -> memref<1x128xi32, #tpu.memory_space<vmem>>
    %dma_start3A_142 = tpu.memref_squeeze %dma_start3A_141 : memref<1x128xi32, #tpu.memory_space<vmem>> -> memref<128xi32, #tpu.memory_space<vmem>>
    %dma_start3A_143 = arith.constant 0 : i32
    %dma_start3A_144 = tpu.memref_slice %arg15[%dma_start3A_143] : memref<1040xf32, #tpu.memory_space<vmem_shared>> -> memref<1040xf32, #tpu.memory_space<vmem_shared>>
    tpu.enqueue_indirect_dma source(%dma_start3A_139 : memref<128xf32, #tpu.memory_space<vmem>>) target(%dma_start3A_144 : memref<1040xf32, #tpu.memory_space<vmem_shared>>) offsets(%dma_start3A_142 : memref<128xi32, #tpu.memory_space<vmem>>) semaphore(%arg17 : memref<!tpu.dma_semaphore, #tpu.memory_space<semaphore_mem>>) {add = true}
    %dma_start3A_145 = arith.constant 2 : i32
    %dma_start3A_146 = arith.constant 256 : i32
    %dma_start3A_147 = tpu.memref_slice %arg10[%dma_start3A_146] : memref<3200xf32, #tpu.memory_space<vmem>> -> memref<128xf32, #tpu.memory_space<vmem>>
    %dma_start3A_148 = arith.constant 0 : i32
    %dma_start3A_149 = tpu.memref_slice %arg9[%dma_start3A_145, %dma_start3A_148] : memref<25x128xi32, #tpu.memory_space<vmem>> -> memref<1x128xi32, #tpu.memory_space<vmem>>
    %dma_start3A_150 = tpu.memref_squeeze %dma_start3A_149 : memref<1x128xi32, #tpu.memory_space<vmem>> -> memref<128xi32, #tpu.memory_space<vmem>>
    %dma_start3A_151 = arith.constant 0 : i32
    %dma_start3A_152 = tpu.memref_slice %arg14[%dma_start3A_151] : memref<1040xf32, #tpu.memory_space<vmem_shared>> -> memref<1040xf32, #tpu.memory_space<vmem_shared>>
    tpu.enqueue_indirect_dma source(%dma_start3A_147 : memref<128xf32, #tpu.memory_space<vmem>>) target(%dma_start3A_152 : memref<1040xf32, #tpu.memory_space<vmem_shared>>) offsets(%dma_start3A_150 : memref<128xi32, #tpu.memory_space<vmem>>) semaphore(%arg17 : memref<!tpu.dma_semaphore, #tpu.memory_space<semaphore_mem>>) {add = true}
    %dma_start3A_153 = arith.constant 2 : i32
    %dma_start3A_154 = arith.constant 256 : i32
    %dma_start3A_155 = tpu.memref_slice %arg11[%dma_start3A_154] : memref<3200xf32, #tpu.memory_space<vmem>> -> memref<128xf32, #tpu.memory_space<vmem>>
    %dma_start3A_156 = arith.constant 0 : i32
    %dma_start3A_157 = tpu.memref_slice %arg9[%dma_start3A_153, %dma_start3A_156] : memref<25x128xi32, #tpu.memory_space<vmem>> -> memref<1x128xi32, #tpu.memory_space<vmem>>
    %dma_start3A_158 = tpu.memref_squeeze %dma_start3A_157 : memref<1x128xi32, #tpu.memory_space<vmem>> -> memref<128xi32, #tpu.memory_space<vmem>>
    %dma_start3A_159 = arith.constant 0 : i32
    %dma_start3A_160 = tpu.memref_slice %arg15[%dma_start3A_159] : memref<1040xf32, #tpu.memory_space<vmem_shared>> -> memref<1040xf32, #tpu.memory_space<vmem_shared>>
    tpu.enqueue_indirect_dma source(%dma_start3A_155 : memref<128xf32, #tpu.memory_space<vmem>>) target(%dma_start3A_160 : memref<1040xf32, #tpu.memory_space<vmem_shared>>) offsets(%dma_start3A_158 : memref<128xi32, #tpu.memory_space<vmem>>) semaphore(%arg17 : memref<!tpu.dma_semaphore, #tpu.memory_space<semaphore_mem>>) {add = true}
    %dma_start3A_161 = arith.constant 3 : i32
    %dma_start3A_162 = arith.constant 384 : i32
    %dma_start3A_163 = tpu.memref_slice %arg10[%dma_start3A_162] : memref<3200xf32, #tpu.memory_space<vmem>> -> memref<128xf32, #tpu.memory_space<vmem>>
    %dma_start3A_164 = arith.constant 0 : i32
    %dma_start3A_165 = tpu.memref_slice %arg9[%dma_start3A_161, %dma_start3A_164] : memref<25x128xi32, #tpu.memory_space<vmem>> -> memref<1x128xi32, #tpu.memory_space<vmem>>
    %dma_start3A_166 = tpu.memref_squeeze %dma_start3A_165 : memref<1x128xi32, #tpu.memory_space<vmem>> -> memref<128xi32, #tpu.memory_space<vmem>>
    %dma_start3A_167 = arith.constant 0 : i32
    %dma_start3A_168 = tpu.memref_slice %arg14[%dma_start3A_167] : memref<1040xf32, #tpu.memory_space<vmem_shared>> -> memref<1040xf32, #tpu.memory_space<vmem_shared>>
    tpu.enqueue_indirect_dma source(%dma_start3A_163 : memref<128xf32, #tpu.memory_space<vmem>>) target(%dma_start3A_168 : memref<1040xf32, #tpu.memory_space<vmem_shared>>) offsets(%dma_start3A_166 : memref<128xi32, #tpu.memory_space<vmem>>) semaphore(%arg17 : memref<!tpu.dma_semaphore, #tpu.memory_space<semaphore_mem>>) {add = true}
    %dma_start3A_169 = arith.constant 3 : i32
    %dma_start3A_170 = arith.constant 384 : i32
    %dma_start3A_171 = tpu.memref_slice %arg11[%dma_start3A_170] : memref<3200xf32, #tpu.memory_space<vmem>> -> memref<128xf32, #tpu.memory_space<vmem>>
    %dma_start3A_172 = arith.constant 0 : i32
    %dma_start3A_173 = tpu.memref_slice %arg9[%dma_start3A_169, %dma_start3A_172] : memref<25x128xi32, #tpu.memory_space<vmem>> -> memref<1x128xi32, #tpu.memory_space<vmem>>
    %dma_start3A_174 = tpu.memref_squeeze %dma_start3A_173 : memref<1x128xi32, #tpu.memory_space<vmem>> -> memref<128xi32, #tpu.memory_space<vmem>>
    %dma_start3A_175 = arith.constant 0 : i32
    %dma_start3A_176 = tpu.memref_slice %arg15[%dma_start3A_175] : memref<1040xf32, #tpu.memory_space<vmem_shared>> -> memref<1040xf32, #tpu.memory_space<vmem_shared>>
    tpu.enqueue_indirect_dma source(%dma_start3A_171 : memref<128xf32, #tpu.memory_space<vmem>>) target(%dma_start3A_176 : memref<1040xf32, #tpu.memory_space<vmem_shared>>) offsets(%dma_start3A_174 : memref<128xi32, #tpu.memory_space<vmem>>) semaphore(%arg17 : memref<!tpu.dma_semaphore, #tpu.memory_space<semaphore_mem>>) {add = true}
    %dma_start3A_177 = arith.constant 4 : i32
    %dma_start3A_178 = arith.constant 512 : i32
    %dma_start3A_179 = tpu.memref_slice %arg10[%dma_start3A_178] : memref<3200xf32, #tpu.memory_space<vmem>> -> memref<128xf32, #tpu.memory_space<vmem>>
    %dma_start3A_180 = arith.constant 0 : i32
    %dma_start3A_181 = tpu.memref_slice %arg9[%dma_start3A_177, %dma_start3A_180] : memref<25x128xi32, #tpu.memory_space<vmem>> -> memref<1x128xi32, #tpu.memory_space<vmem>>
    %dma_start3A_182 = tpu.memref_squeeze %dma_start3A_181 : memref<1x128xi32, #tpu.memory_space<vmem>> -> memref<128xi32, #tpu.memory_space<vmem>>
    %dma_start3A_183 = arith.constant 0 : i32
    %dma_start3A_184 = tpu.memref_slice %arg14[%dma_start3A_183] : memref<1040xf32, #tpu.memory_space<vmem_shared>> -> memref<1040xf32, #tpu.memory_space<vmem_shared>>
    tpu.enqueue_indirect_dma source(%dma_start3A_179 : memref<128xf32, #tpu.memory_space<vmem>>) target(%dma_start3A_184 : memref<1040xf32, #tpu.memory_space<vmem_shared>>) offsets(%dma_start3A_182 : memref<128xi32, #tpu.memory_space<vmem>>) semaphore(%arg17 : memref<!tpu.dma_semaphore, #tpu.memory_space<semaphore_mem>>) {add = true}
    %dma_start3A_185 = arith.constant 4 : i32
    %dma_start3A_186 = arith.constant 512 : i32
    %dma_start3A_187 = tpu.memref_slice %arg11[%dma_start3A_186] : memref<3200xf32, #tpu.memory_space<vmem>> -> memref<128xf32, #tpu.memory_space<vmem>>
    %dma_start3A_188 = arith.constant 0 : i32
    %dma_start3A_189 = tpu.memref_slice %arg9[%dma_start3A_185, %dma_start3A_188] : memref<25x128xi32, #tpu.memory_space<vmem>> -> memref<1x128xi32, #tpu.memory_space<vmem>>
    %dma_start3A_190 = tpu.memref_squeeze %dma_start3A_189 : memref<1x128xi32, #tpu.memory_space<vmem>> -> memref<128xi32, #tpu.memory_space<vmem>>
    %dma_start3A_191 = arith.constant 0 : i32
    %dma_start3A_192 = tpu.memref_slice %arg15[%dma_start3A_191] : memref<1040xf32, #tpu.memory_space<vmem_shared>> -> memref<1040xf32, #tpu.memory_space<vmem_shared>>
    tpu.enqueue_indirect_dma source(%dma_start3A_187 : memref<128xf32, #tpu.memory_space<vmem>>) target(%dma_start3A_192 : memref<1040xf32, #tpu.memory_space<vmem_shared>>) offsets(%dma_start3A_190 : memref<128xi32, #tpu.memory_space<vmem>>) semaphore(%arg17 : memref<!tpu.dma_semaphore, #tpu.memory_space<semaphore_mem>>) {add = true}
    %dma_start3A_193 = arith.constant 5 : i32
    %dma_start3A_194 = arith.constant 640 : i32
    %dma_start3A_195 = tpu.memref_slice %arg10[%dma_start3A_194] : memref<3200xf32, #tpu.memory_space<vmem>> -> memref<128xf32, #tpu.memory_space<vmem>>
    %dma_start3A_196 = arith.constant 0 : i32
    %dma_start3A_197 = tpu.memref_slice %arg9[%dma_start3A_193, %dma_start3A_196] : memref<25x128xi32, #tpu.memory_space<vmem>> -> memref<1x128xi32, #tpu.memory_space<vmem>>
    %dma_start3A_198 = tpu.memref_squeeze %dma_start3A_197 : memref<1x128xi32, #tpu.memory_space<vmem>> -> memref<128xi32, #tpu.memory_space<vmem>>
    %dma_start3A_199 = arith.constant 0 : i32
    %dma_start3A_200 = tpu.memref_slice %arg14[%dma_start3A_199] : memref<1040xf32, #tpu.memory_space<vmem_shared>> -> memref<1040xf32, #tpu.memory_space<vmem_shared>>
    tpu.enqueue_indirect_dma source(%dma_start3A_195 : memref<128xf32, #tpu.memory_space<vmem>>) target(%dma_start3A_200 : memref<1040xf32, #tpu.memory_space<vmem_shared>>) offsets(%dma_start3A_198 : memref<128xi32, #tpu.memory_space<vmem>>) semaphore(%arg17 : memref<!tpu.dma_semaphore, #tpu.memory_space<semaphore_mem>>) {add = true}
    %dma_start3A_201 = arith.constant 5 : i32
    %dma_start3A_202 = arith.constant 640 : i32
    %dma_start3A_203 = tpu.memref_slice %arg11[%dma_start3A_202] : memref<3200xf32, #tpu.memory_space<vmem>> -> memref<128xf32, #tpu.memory_space<vmem>>
    %dma_start3A_204 = arith.constant 0 : i32
    %dma_start3A_205 = tpu.memref_slice %arg9[%dma_start3A_201, %dma_start3A_204] : memref<25x128xi32, #tpu.memory_space<vmem>> -> memref<1x128xi32, #tpu.memory_space<vmem>>
    %dma_start3A_206 = tpu.memref_squeeze %dma_start3A_205 : memref<1x128xi32, #tpu.memory_space<vmem>> -> memref<128xi32, #tpu.memory_space<vmem>>
    %dma_start3A_207 = arith.constant 0 : i32
    %dma_start3A_208 = tpu.memref_slice %arg15[%dma_start3A_207] : memref<1040xf32, #tpu.memory_space<vmem_shared>> -> memref<1040xf32, #tpu.memory_space<vmem_shared>>
    tpu.enqueue_indirect_dma source(%dma_start3A_203 : memref<128xf32, #tpu.memory_space<vmem>>) target(%dma_start3A_208 : memref<1040xf32, #tpu.memory_space<vmem_shared>>) offsets(%dma_start3A_206 : memref<128xi32, #tpu.memory_space<vmem>>) semaphore(%arg17 : memref<!tpu.dma_semaphore, #tpu.memory_space<semaphore_mem>>) {add = true}
    %dma_start3A_209 = arith.constant 6 : i32
    %dma_start3A_210 = arith.constant 768 : i32
    %dma_start3A_211 = tpu.memref_slice %arg10[%dma_start3A_210] : memref<3200xf32, #tpu.memory_space<vmem>> -> memref<128xf32, #tpu.memory_space<vmem>>
    %dma_start3A_212 = arith.constant 0 : i32
    %dma_start3A_213 = tpu.memref_slice %arg9[%dma_start3A_209, %dma_start3A_212] : memref<25x128xi32, #tpu.memory_space<vmem>> -> memref<1x128xi32, #tpu.memory_space<vmem>>
    %dma_start3A_214 = tpu.memref_squeeze %dma_start3A_213 : memref<1x128xi32, #tpu.memory_space<vmem>> -> memref<128xi32, #tpu.memory_space<vmem>>
    %dma_start3A_215 = arith.constant 0 : i32
    %dma_start3A_216 = tpu.memref_slice %arg14[%dma_start3A_215] : memref<1040xf32, #tpu.memory_space<vmem_shared>> -> memref<1040xf32, #tpu.memory_space<vmem_shared>>
    tpu.enqueue_indirect_dma source(%dma_start3A_211 : memref<128xf32, #tpu.memory_space<vmem>>) target(%dma_start3A_216 : memref<1040xf32, #tpu.memory_space<vmem_shared>>) offsets(%dma_start3A_214 : memref<128xi32, #tpu.memory_space<vmem>>) semaphore(%arg17 : memref<!tpu.dma_semaphore, #tpu.memory_space<semaphore_mem>>) {add = true}
    %dma_start3A_217 = arith.constant 6 : i32
    %dma_start3A_218 = arith.constant 768 : i32
    %dma_start3A_219 = tpu.memref_slice %arg11[%dma_start3A_218] : memref<3200xf32, #tpu.memory_space<vmem>> -> memref<128xf32, #tpu.memory_space<vmem>>
    %dma_start3A_220 = arith.constant 0 : i32
    %dma_start3A_221 = tpu.memref_slice %arg9[%dma_start3A_217, %dma_start3A_220] : memref<25x128xi32, #tpu.memory_space<vmem>> -> memref<1x128xi32, #tpu.memory_space<vmem>>
    %dma_start3A_222 = tpu.memref_squeeze %dma_start3A_221 : memref<1x128xi32, #tpu.memory_space<vmem>> -> memref<128xi32, #tpu.memory_space<vmem>>
    %dma_start3A_223 = arith.constant 0 : i32
    %dma_start3A_224 = tpu.memref_slice %arg15[%dma_start3A_223] : memref<1040xf32, #tpu.memory_space<vmem_shared>> -> memref<1040xf32, #tpu.memory_space<vmem_shared>>
    tpu.enqueue_indirect_dma source(%dma_start3A_219 : memref<128xf32, #tpu.memory_space<vmem>>) target(%dma_start3A_224 : memref<1040xf32, #tpu.memory_space<vmem_shared>>) offsets(%dma_start3A_222 : memref<128xi32, #tpu.memory_space<vmem>>) semaphore(%arg17 : memref<!tpu.dma_semaphore, #tpu.memory_space<semaphore_mem>>) {add = true}
    %dma_start3A_225 = arith.constant 7 : i32
    %dma_start3A_226 = arith.constant 896 : i32
    %dma_start3A_227 = tpu.memref_slice %arg10[%dma_start3A_226] : memref<3200xf32, #tpu.memory_space<vmem>> -> memref<128xf32, #tpu.memory_space<vmem>>
    %dma_start3A_228 = arith.constant 0 : i32
    %dma_start3A_229 = tpu.memref_slice %arg9[%dma_start3A_225, %dma_start3A_228] : memref<25x128xi32, #tpu.memory_space<vmem>> -> memref<1x128xi32, #tpu.memory_space<vmem>>
    %dma_start3A_230 = tpu.memref_squeeze %dma_start3A_229 : memref<1x128xi32, #tpu.memory_space<vmem>> -> memref<128xi32, #tpu.memory_space<vmem>>
    %dma_start3A_231 = arith.constant 0 : i32
    %dma_start3A_232 = tpu.memref_slice %arg14[%dma_start3A_231] : memref<1040xf32, #tpu.memory_space<vmem_shared>> -> memref<1040xf32, #tpu.memory_space<vmem_shared>>
    tpu.enqueue_indirect_dma source(%dma_start3A_227 : memref<128xf32, #tpu.memory_space<vmem>>) target(%dma_start3A_232 : memref<1040xf32, #tpu.memory_space<vmem_shared>>) offsets(%dma_start3A_230 : memref<128xi32, #tpu.memory_space<vmem>>) semaphore(%arg17 : memref<!tpu.dma_semaphore, #tpu.memory_space<semaphore_mem>>) {add = true}
    %dma_start3A_233 = arith.constant 7 : i32
    %dma_start3A_234 = arith.constant 896 : i32
    %dma_start3A_235 = tpu.memref_slice %arg11[%dma_start3A_234] : memref<3200xf32, #tpu.memory_space<vmem>> -> memref<128xf32, #tpu.memory_space<vmem>>
    %dma_start3A_236 = arith.constant 0 : i32
    %dma_start3A_237 = tpu.memref_slice %arg9[%dma_start3A_233, %dma_start3A_236] : memref<25x128xi32, #tpu.memory_space<vmem>> -> memref<1x128xi32, #tpu.memory_space<vmem>>
    %dma_start3A_238 = tpu.memref_squeeze %dma_start3A_237 : memref<1x128xi32, #tpu.memory_space<vmem>> -> memref<128xi32, #tpu.memory_space<vmem>>
    %dma_start3A_239 = arith.constant 0 : i32
    %dma_start3A_240 = tpu.memref_slice %arg15[%dma_start3A_239] : memref<1040xf32, #tpu.memory_space<vmem_shared>> -> memref<1040xf32, #tpu.memory_space<vmem_shared>>
    tpu.enqueue_indirect_dma source(%dma_start3A_235 : memref<128xf32, #tpu.memory_space<vmem>>) target(%dma_start3A_240 : memref<1040xf32, #tpu.memory_space<vmem_shared>>) offsets(%dma_start3A_238 : memref<128xi32, #tpu.memory_space<vmem>>) semaphore(%arg17 : memref<!tpu.dma_semaphore, #tpu.memory_space<semaphore_mem>>) {add = true}
    %dma_start3A_241 = arith.constant 8 : i32
    %dma_start3A_242 = arith.constant 1024 : i32
    %dma_start3A_243 = tpu.memref_slice %arg10[%dma_start3A_242] : memref<3200xf32, #tpu.memory_space<vmem>> -> memref<128xf32, #tpu.memory_space<vmem>>
    %dma_start3A_244 = arith.constant 0 : i32
    %dma_start3A_245 = tpu.memref_slice %arg9[%dma_start3A_241, %dma_start3A_244] : memref<25x128xi32, #tpu.memory_space<vmem>> -> memref<1x128xi32, #tpu.memory_space<vmem>>
    %dma_start3A_246 = tpu.memref_squeeze %dma_start3A_245 : memref<1x128xi32, #tpu.memory_space<vmem>> -> memref<128xi32, #tpu.memory_space<vmem>>
    %dma_start3A_247 = arith.constant 0 : i32
    %dma_start3A_248 = tpu.memref_slice %arg14[%dma_start3A_247] : memref<1040xf32, #tpu.memory_space<vmem_shared>> -> memref<1040xf32, #tpu.memory_space<vmem_shared>>
    tpu.enqueue_indirect_dma source(%dma_start3A_243 : memref<128xf32, #tpu.memory_space<vmem>>) target(%dma_start3A_248 : memref<1040xf32, #tpu.memory_space<vmem_shared>>) offsets(%dma_start3A_246 : memref<128xi32, #tpu.memory_space<vmem>>) semaphore(%arg17 : memref<!tpu.dma_semaphore, #tpu.memory_space<semaphore_mem>>) {add = true}
    %dma_start3A_249 = arith.constant 8 : i32
    %dma_start3A_250 = arith.constant 1024 : i32
    %dma_start3A_251 = tpu.memref_slice %arg11[%dma_start3A_250] : memref<3200xf32, #tpu.memory_space<vmem>> -> memref<128xf32, #tpu.memory_space<vmem>>
    %dma_start3A_252 = arith.constant 0 : i32
    %dma_start3A_253 = tpu.memref_slice %arg9[%dma_start3A_249, %dma_start3A_252] : memref<25x128xi32, #tpu.memory_space<vmem>> -> memref<1x128xi32, #tpu.memory_space<vmem>>
    %dma_start3A_254 = tpu.memref_squeeze %dma_start3A_253 : memref<1x128xi32, #tpu.memory_space<vmem>> -> memref<128xi32, #tpu.memory_space<vmem>>
    %dma_start3A_255 = arith.constant 0 : i32
    %dma_start3A_256 = tpu.memref_slice %arg15[%dma_start3A_255] : memref<1040xf32, #tpu.memory_space<vmem_shared>> -> memref<1040xf32, #tpu.memory_space<vmem_shared>>
    tpu.enqueue_indirect_dma source(%dma_start3A_251 : memref<128xf32, #tpu.memory_space<vmem>>) target(%dma_start3A_256 : memref<1040xf32, #tpu.memory_space<vmem_shared>>) offsets(%dma_start3A_254 : memref<128xi32, #tpu.memory_space<vmem>>) semaphore(%arg17 : memref<!tpu.dma_semaphore, #tpu.memory_space<semaphore_mem>>) {add = true}
    %dma_start3A_257 = arith.constant 9 : i32
    %dma_start3A_258 = arith.constant 1152 : i32
    %dma_start3A_259 = tpu.memref_slice %arg10[%dma_start3A_258] : memref<3200xf32, #tpu.memory_space<vmem>> -> memref<128xf32, #tpu.memory_space<vmem>>
    %dma_start3A_260 = arith.constant 0 : i32
    %dma_start3A_261 = tpu.memref_slice %arg9[%dma_start3A_257, %dma_start3A_260] : memref<25x128xi32, #tpu.memory_space<vmem>> -> memref<1x128xi32, #tpu.memory_space<vmem>>
    %dma_start3A_262 = tpu.memref_squeeze %dma_start3A_261 : memref<1x128xi32, #tpu.memory_space<vmem>> -> memref<128xi32, #tpu.memory_space<vmem>>
    %dma_start3A_263 = arith.constant 0 : i32
    %dma_start3A_264 = tpu.memref_slice %arg14[%dma_start3A_263] : memref<1040xf32, #tpu.memory_space<vmem_shared>> -> memref<1040xf32, #tpu.memory_space<vmem_shared>>
    tpu.enqueue_indirect_dma source(%dma_start3A_259 : memref<128xf32, #tpu.memory_space<vmem>>) target(%dma_start3A_264 : memref<1040xf32, #tpu.memory_space<vmem_shared>>) offsets(%dma_start3A_262 : memref<128xi32, #tpu.memory_space<vmem>>) semaphore(%arg17 : memref<!tpu.dma_semaphore, #tpu.memory_space<semaphore_mem>>) {add = true}
    %dma_start3A_265 = arith.constant 9 : i32
    %dma_start3A_266 = arith.constant 1152 : i32
    %dma_start3A_267 = tpu.memref_slice %arg11[%dma_start3A_266] : memref<3200xf32, #tpu.memory_space<vmem>> -> memref<128xf32, #tpu.memory_space<vmem>>
    %dma_start3A_268 = arith.constant 0 : i32
    %dma_start3A_269 = tpu.memref_slice %arg9[%dma_start3A_265, %dma_start3A_268] : memref<25x128xi32, #tpu.memory_space<vmem>> -> memref<1x128xi32, #tpu.memory_space<vmem>>
    %dma_start3A_270 = tpu.memref_squeeze %dma_start3A_269 : memref<1x128xi32, #tpu.memory_space<vmem>> -> memref<128xi32, #tpu.memory_space<vmem>>
    %dma_start3A_271 = arith.constant 0 : i32
    %dma_start3A_272 = tpu.memref_slice %arg15[%dma_start3A_271] : memref<1040xf32, #tpu.memory_space<vmem_shared>> -> memref<1040xf32, #tpu.memory_space<vmem_shared>>
    tpu.enqueue_indirect_dma source(%dma_start3A_267 : memref<128xf32, #tpu.memory_space<vmem>>) target(%dma_start3A_272 : memref<1040xf32, #tpu.memory_space<vmem_shared>>) offsets(%dma_start3A_270 : memref<128xi32, #tpu.memory_space<vmem>>) semaphore(%arg17 : memref<!tpu.dma_semaphore, #tpu.memory_space<semaphore_mem>>) {add = true}
    %dma_start3A_273 = arith.constant 10 : i32
    %dma_start3A_274 = arith.constant 1280 : i32
    %dma_start3A_275 = tpu.memref_slice %arg10[%dma_start3A_274] : memref<3200xf32, #tpu.memory_space<vmem>> -> memref<128xf32, #tpu.memory_space<vmem>>
    %dma_start3A_276 = arith.constant 0 : i32
    %dma_start3A_277 = tpu.memref_slice %arg9[%dma_start3A_273, %dma_start3A_276] : memref<25x128xi32, #tpu.memory_space<vmem>> -> memref<1x128xi32, #tpu.memory_space<vmem>>
    %dma_start3A_278 = tpu.memref_squeeze %dma_start3A_277 : memref<1x128xi32, #tpu.memory_space<vmem>> -> memref<128xi32, #tpu.memory_space<vmem>>
    %dma_start3A_279 = arith.constant 0 : i32
    %dma_start3A_280 = tpu.memref_slice %arg14[%dma_start3A_279] : memref<1040xf32, #tpu.memory_space<vmem_shared>> -> memref<1040xf32, #tpu.memory_space<vmem_shared>>
    tpu.enqueue_indirect_dma source(%dma_start3A_275 : memref<128xf32, #tpu.memory_space<vmem>>) target(%dma_start3A_280 : memref<1040xf32, #tpu.memory_space<vmem_shared>>) offsets(%dma_start3A_278 : memref<128xi32, #tpu.memory_space<vmem>>) semaphore(%arg17 : memref<!tpu.dma_semaphore, #tpu.memory_space<semaphore_mem>>) {add = true}
    %dma_start3A_281 = arith.constant 10 : i32
    %dma_start3A_282 = arith.constant 1280 : i32
    %dma_start3A_283 = tpu.memref_slice %arg11[%dma_start3A_282] : memref<3200xf32, #tpu.memory_space<vmem>> -> memref<128xf32, #tpu.memory_space<vmem>>
    %dma_start3A_284 = arith.constant 0 : i32
    %dma_start3A_285 = tpu.memref_slice %arg9[%dma_start3A_281, %dma_start3A_284] : memref<25x128xi32, #tpu.memory_space<vmem>> -> memref<1x128xi32, #tpu.memory_space<vmem>>
    %dma_start3A_286 = tpu.memref_squeeze %dma_start3A_285 : memref<1x128xi32, #tpu.memory_space<vmem>> -> memref<128xi32, #tpu.memory_space<vmem>>
    %dma_start3A_287 = arith.constant 0 : i32
    %dma_start3A_288 = tpu.memref_slice %arg15[%dma_start3A_287] : memref<1040xf32, #tpu.memory_space<vmem_shared>> -> memref<1040xf32, #tpu.memory_space<vmem_shared>>
    tpu.enqueue_indirect_dma source(%dma_start3A_283 : memref<128xf32, #tpu.memory_space<vmem>>) target(%dma_start3A_288 : memref<1040xf32, #tpu.memory_space<vmem_shared>>) offsets(%dma_start3A_286 : memref<128xi32, #tpu.memory_space<vmem>>) semaphore(%arg17 : memref<!tpu.dma_semaphore, #tpu.memory_space<semaphore_mem>>) {add = true}
    %dma_start3A_289 = arith.constant 11 : i32
    %dma_start3A_290 = arith.constant 1408 : i32
    %dma_start3A_291 = tpu.memref_slice %arg10[%dma_start3A_290] : memref<3200xf32, #tpu.memory_space<vmem>> -> memref<128xf32, #tpu.memory_space<vmem>>
    %dma_start3A_292 = arith.constant 0 : i32
    %dma_start3A_293 = tpu.memref_slice %arg9[%dma_start3A_289, %dma_start3A_292] : memref<25x128xi32, #tpu.memory_space<vmem>> -> memref<1x128xi32, #tpu.memory_space<vmem>>
    %dma_start3A_294 = tpu.memref_squeeze %dma_start3A_293 : memref<1x128xi32, #tpu.memory_space<vmem>> -> memref<128xi32, #tpu.memory_space<vmem>>
    %dma_start3A_295 = arith.constant 0 : i32
    %dma_start3A_296 = tpu.memref_slice %arg14[%dma_start3A_295] : memref<1040xf32, #tpu.memory_space<vmem_shared>> -> memref<1040xf32, #tpu.memory_space<vmem_shared>>
    tpu.enqueue_indirect_dma source(%dma_start3A_291 : memref<128xf32, #tpu.memory_space<vmem>>) target(%dma_start3A_296 : memref<1040xf32, #tpu.memory_space<vmem_shared>>) offsets(%dma_start3A_294 : memref<128xi32, #tpu.memory_space<vmem>>) semaphore(%arg17 : memref<!tpu.dma_semaphore, #tpu.memory_space<semaphore_mem>>) {add = true}
    %dma_start3A_297 = arith.constant 11 : i32
    %dma_start3A_298 = arith.constant 1408 : i32
    %dma_start3A_299 = tpu.memref_slice %arg11[%dma_start3A_298] : memref<3200xf32, #tpu.memory_space<vmem>> -> memref<128xf32, #tpu.memory_space<vmem>>
    %dma_start3A_300 = arith.constant 0 : i32
    %dma_start3A_301 = tpu.memref_slice %arg9[%dma_start3A_297, %dma_start3A_300] : memref<25x128xi32, #tpu.memory_space<vmem>> -> memref<1x128xi32, #tpu.memory_space<vmem>>
    %dma_start3A_302 = tpu.memref_squeeze %dma_start3A_301 : memref<1x128xi32, #tpu.memory_space<vmem>> -> memref<128xi32, #tpu.memory_space<vmem>>
    %dma_start3A_303 = arith.constant 0 : i32
    %dma_start3A_304 = tpu.memref_slice %arg15[%dma_start3A_303] : memref<1040xf32, #tpu.memory_space<vmem_shared>> -> memref<1040xf32, #tpu.memory_space<vmem_shared>>
    tpu.enqueue_indirect_dma source(%dma_start3A_299 : memref<128xf32, #tpu.memory_space<vmem>>) target(%dma_start3A_304 : memref<1040xf32, #tpu.memory_space<vmem_shared>>) offsets(%dma_start3A_302 : memref<128xi32, #tpu.memory_space<vmem>>) semaphore(%arg17 : memref<!tpu.dma_semaphore, #tpu.memory_space<semaphore_mem>>) {add = true}
    %dma_start3A_305 = arith.constant 12 : i32
    %dma_start3A_306 = arith.constant 1536 : i32
    %dma_start3A_307 = tpu.memref_slice %arg10[%dma_start3A_306] : memref<3200xf32, #tpu.memory_space<vmem>> -> memref<128xf32, #tpu.memory_space<vmem>>
    %dma_start3A_308 = arith.constant 0 : i32
    %dma_start3A_309 = tpu.memref_slice %arg9[%dma_start3A_305, %dma_start3A_308] : memref<25x128xi32, #tpu.memory_space<vmem>> -> memref<1x128xi32, #tpu.memory_space<vmem>>
    %dma_start3A_310 = tpu.memref_squeeze %dma_start3A_309 : memref<1x128xi32, #tpu.memory_space<vmem>> -> memref<128xi32, #tpu.memory_space<vmem>>
    %dma_start3A_311 = arith.constant 0 : i32
    %dma_start3A_312 = tpu.memref_slice %arg14[%dma_start3A_311] : memref<1040xf32, #tpu.memory_space<vmem_shared>> -> memref<1040xf32, #tpu.memory_space<vmem_shared>>
    tpu.enqueue_indirect_dma source(%dma_start3A_307 : memref<128xf32, #tpu.memory_space<vmem>>) target(%dma_start3A_312 : memref<1040xf32, #tpu.memory_space<vmem_shared>>) offsets(%dma_start3A_310 : memref<128xi32, #tpu.memory_space<vmem>>) semaphore(%arg17 : memref<!tpu.dma_semaphore, #tpu.memory_space<semaphore_mem>>) {add = true}
    %dma_start3A_313 = arith.constant 12 : i32
    %dma_start3A_314 = arith.constant 1536 : i32
    %dma_start3A_315 = tpu.memref_slice %arg11[%dma_start3A_314] : memref<3200xf32, #tpu.memory_space<vmem>> -> memref<128xf32, #tpu.memory_space<vmem>>
    %dma_start3A_316 = arith.constant 0 : i32
    %dma_start3A_317 = tpu.memref_slice %arg9[%dma_start3A_313, %dma_start3A_316] : memref<25x128xi32, #tpu.memory_space<vmem>> -> memref<1x128xi32, #tpu.memory_space<vmem>>
    %dma_start3A_318 = tpu.memref_squeeze %dma_start3A_317 : memref<1x128xi32, #tpu.memory_space<vmem>> -> memref<128xi32, #tpu.memory_space<vmem>>
    %dma_start3A_319 = arith.constant 0 : i32
    %dma_start3A_320 = tpu.memref_slice %arg15[%dma_start3A_319] : memref<1040xf32, #tpu.memory_space<vmem_shared>> -> memref<1040xf32, #tpu.memory_space<vmem_shared>>
    tpu.enqueue_indirect_dma source(%dma_start3A_315 : memref<128xf32, #tpu.memory_space<vmem>>) target(%dma_start3A_320 : memref<1040xf32, #tpu.memory_space<vmem_shared>>) offsets(%dma_start3A_318 : memref<128xi32, #tpu.memory_space<vmem>>) semaphore(%arg17 : memref<!tpu.dma_semaphore, #tpu.memory_space<semaphore_mem>>) {add = true}
    %dma_start3A_321 = arith.constant 13 : i32
    %dma_start3A_322 = arith.constant 1664 : i32
    %dma_start3A_323 = tpu.memref_slice %arg10[%dma_start3A_322] : memref<3200xf32, #tpu.memory_space<vmem>> -> memref<128xf32, #tpu.memory_space<vmem>>
    %dma_start3A_324 = arith.constant 0 : i32
    %dma_start3A_325 = tpu.memref_slice %arg9[%dma_start3A_321, %dma_start3A_324] : memref<25x128xi32, #tpu.memory_space<vmem>> -> memref<1x128xi32, #tpu.memory_space<vmem>>
    %dma_start3A_326 = tpu.memref_squeeze %dma_start3A_325 : memref<1x128xi32, #tpu.memory_space<vmem>> -> memref<128xi32, #tpu.memory_space<vmem>>
    %dma_start3A_327 = arith.constant 0 : i32
    %dma_start3A_328 = tpu.memref_slice %arg14[%dma_start3A_327] : memref<1040xf32, #tpu.memory_space<vmem_shared>> -> memref<1040xf32, #tpu.memory_space<vmem_shared>>
    tpu.enqueue_indirect_dma source(%dma_start3A_323 : memref<128xf32, #tpu.memory_space<vmem>>) target(%dma_start3A_328 : memref<1040xf32, #tpu.memory_space<vmem_shared>>) offsets(%dma_start3A_326 : memref<128xi32, #tpu.memory_space<vmem>>) semaphore(%arg17 : memref<!tpu.dma_semaphore, #tpu.memory_space<semaphore_mem>>) {add = true}
    %dma_start3A_329 = arith.constant 13 : i32
    %dma_start3A_330 = arith.constant 1664 : i32
    %dma_start3A_331 = tpu.memref_slice %arg11[%dma_start3A_330] : memref<3200xf32, #tpu.memory_space<vmem>> -> memref<128xf32, #tpu.memory_space<vmem>>
    %dma_start3A_332 = arith.constant 0 : i32
    %dma_start3A_333 = tpu.memref_slice %arg9[%dma_start3A_329, %dma_start3A_332] : memref<25x128xi32, #tpu.memory_space<vmem>> -> memref<1x128xi32, #tpu.memory_space<vmem>>
    %dma_start3A_334 = tpu.memref_squeeze %dma_start3A_333 : memref<1x128xi32, #tpu.memory_space<vmem>> -> memref<128xi32, #tpu.memory_space<vmem>>
    %dma_start3A_335 = arith.constant 0 : i32
    %dma_start3A_336 = tpu.memref_slice %arg15[%dma_start3A_335] : memref<1040xf32, #tpu.memory_space<vmem_shared>> -> memref<1040xf32, #tpu.memory_space<vmem_shared>>
    tpu.enqueue_indirect_dma source(%dma_start3A_331 : memref<128xf32, #tpu.memory_space<vmem>>) target(%dma_start3A_336 : memref<1040xf32, #tpu.memory_space<vmem_shared>>) offsets(%dma_start3A_334 : memref<128xi32, #tpu.memory_space<vmem>>) semaphore(%arg17 : memref<!tpu.dma_semaphore, #tpu.memory_space<semaphore_mem>>) {add = true}
    %dma_start3A_337 = arith.constant 14 : i32
    %dma_start3A_338 = arith.constant 1792 : i32
    %dma_start3A_339 = tpu.memref_slice %arg10[%dma_start3A_338] : memref<3200xf32, #tpu.memory_space<vmem>> -> memref<128xf32, #tpu.memory_space<vmem>>
    %dma_start3A_340 = arith.constant 0 : i32
    %dma_start3A_341 = tpu.memref_slice %arg9[%dma_start3A_337, %dma_start3A_340] : memref<25x128xi32, #tpu.memory_space<vmem>> -> memref<1x128xi32, #tpu.memory_space<vmem>>
    %dma_start3A_342 = tpu.memref_squeeze %dma_start3A_341 : memref<1x128xi32, #tpu.memory_space<vmem>> -> memref<128xi32, #tpu.memory_space<vmem>>
    %dma_start3A_343 = arith.constant 0 : i32
    %dma_start3A_344 = tpu.memref_slice %arg14[%dma_start3A_343] : memref<1040xf32, #tpu.memory_space<vmem_shared>> -> memref<1040xf32, #tpu.memory_space<vmem_shared>>
    tpu.enqueue_indirect_dma source(%dma_start3A_339 : memref<128xf32, #tpu.memory_space<vmem>>) target(%dma_start3A_344 : memref<1040xf32, #tpu.memory_space<vmem_shared>>) offsets(%dma_start3A_342 : memref<128xi32, #tpu.memory_space<vmem>>) semaphore(%arg17 : memref<!tpu.dma_semaphore, #tpu.memory_space<semaphore_mem>>) {add = true}
    %dma_start3A_345 = arith.constant 14 : i32
    %dma_start3A_346 = arith.constant 1792 : i32
    %dma_start3A_347 = tpu.memref_slice %arg11[%dma_start3A_346] : memref<3200xf32, #tpu.memory_space<vmem>> -> memref<128xf32, #tpu.memory_space<vmem>>
    %dma_start3A_348 = arith.constant 0 : i32
    %dma_start3A_349 = tpu.memref_slice %arg9[%dma_start3A_345, %dma_start3A_348] : memref<25x128xi32, #tpu.memory_space<vmem>> -> memref<1x128xi32, #tpu.memory_space<vmem>>
    %dma_start3A_350 = tpu.memref_squeeze %dma_start3A_349 : memref<1x128xi32, #tpu.memory_space<vmem>> -> memref<128xi32, #tpu.memory_space<vmem>>
    %dma_start3A_351 = arith.constant 0 : i32
    %dma_start3A_352 = tpu.memref_slice %arg15[%dma_start3A_351] : memref<1040xf32, #tpu.memory_space<vmem_shared>> -> memref<1040xf32, #tpu.memory_space<vmem_shared>>
    tpu.enqueue_indirect_dma source(%dma_start3A_347 : memref<128xf32, #tpu.memory_space<vmem>>) target(%dma_start3A_352 : memref<1040xf32, #tpu.memory_space<vmem_shared>>) offsets(%dma_start3A_350 : memref<128xi32, #tpu.memory_space<vmem>>) semaphore(%arg17 : memref<!tpu.dma_semaphore, #tpu.memory_space<semaphore_mem>>) {add = true}
    %dma_start3A_353 = arith.constant 15 : i32
    %dma_start3A_354 = arith.constant 1920 : i32
    %dma_start3A_355 = tpu.memref_slice %arg10[%dma_start3A_354] : memref<3200xf32, #tpu.memory_space<vmem>> -> memref<128xf32, #tpu.memory_space<vmem>>
    %dma_start3A_356 = arith.constant 0 : i32
    %dma_start3A_357 = tpu.memref_slice %arg9[%dma_start3A_353, %dma_start3A_356] : memref<25x128xi32, #tpu.memory_space<vmem>> -> memref<1x128xi32, #tpu.memory_space<vmem>>
    %dma_start3A_358 = tpu.memref_squeeze %dma_start3A_357 : memref<1x128xi32, #tpu.memory_space<vmem>> -> memref<128xi32, #tpu.memory_space<vmem>>
    %dma_start3A_359 = arith.constant 0 : i32
    %dma_start3A_360 = tpu.memref_slice %arg14[%dma_start3A_359] : memref<1040xf32, #tpu.memory_space<vmem_shared>> -> memref<1040xf32, #tpu.memory_space<vmem_shared>>
    tpu.enqueue_indirect_dma source(%dma_start3A_355 : memref<128xf32, #tpu.memory_space<vmem>>) target(%dma_start3A_360 : memref<1040xf32, #tpu.memory_space<vmem_shared>>) offsets(%dma_start3A_358 : memref<128xi32, #tpu.memory_space<vmem>>) semaphore(%arg17 : memref<!tpu.dma_semaphore, #tpu.memory_space<semaphore_mem>>) {add = true}
    %dma_start3A_361 = arith.constant 15 : i32
    %dma_start3A_362 = arith.constant 1920 : i32
    %dma_start3A_363 = tpu.memref_slice %arg11[%dma_start3A_362] : memref<3200xf32, #tpu.memory_space<vmem>> -> memref<128xf32, #tpu.memory_space<vmem>>
    %dma_start3A_364 = arith.constant 0 : i32
    %dma_start3A_365 = tpu.memref_slice %arg9[%dma_start3A_361, %dma_start3A_364] : memref<25x128xi32, #tpu.memory_space<vmem>> -> memref<1x128xi32, #tpu.memory_space<vmem>>
    %dma_start3A_366 = tpu.memref_squeeze %dma_start3A_365 : memref<1x128xi32, #tpu.memory_space<vmem>> -> memref<128xi32, #tpu.memory_space<vmem>>
    %dma_start3A_367 = arith.constant 0 : i32
    %dma_start3A_368 = tpu.memref_slice %arg15[%dma_start3A_367] : memref<1040xf32, #tpu.memory_space<vmem_shared>> -> memref<1040xf32, #tpu.memory_space<vmem_shared>>
    tpu.enqueue_indirect_dma source(%dma_start3A_363 : memref<128xf32, #tpu.memory_space<vmem>>) target(%dma_start3A_368 : memref<1040xf32, #tpu.memory_space<vmem_shared>>) offsets(%dma_start3A_366 : memref<128xi32, #tpu.memory_space<vmem>>) semaphore(%arg17 : memref<!tpu.dma_semaphore, #tpu.memory_space<semaphore_mem>>) {add = true}
    %dma_start3A_369 = arith.constant 16 : i32
    %dma_start3A_370 = arith.constant 2048 : i32
    %dma_start3A_371 = tpu.memref_slice %arg10[%dma_start3A_370] : memref<3200xf32, #tpu.memory_space<vmem>> -> memref<128xf32, #tpu.memory_space<vmem>>
    %dma_start3A_372 = arith.constant 0 : i32
    %dma_start3A_373 = tpu.memref_slice %arg9[%dma_start3A_369, %dma_start3A_372] : memref<25x128xi32, #tpu.memory_space<vmem>> -> memref<1x128xi32, #tpu.memory_space<vmem>>
    %dma_start3A_374 = tpu.memref_squeeze %dma_start3A_373 : memref<1x128xi32, #tpu.memory_space<vmem>> -> memref<128xi32, #tpu.memory_space<vmem>>
    %dma_start3A_375 = arith.constant 0 : i32
    %dma_start3A_376 = tpu.memref_slice %arg14[%dma_start3A_375] : memref<1040xf32, #tpu.memory_space<vmem_shared>> -> memref<1040xf32, #tpu.memory_space<vmem_shared>>
    tpu.enqueue_indirect_dma source(%dma_start3A_371 : memref<128xf32, #tpu.memory_space<vmem>>) target(%dma_start3A_376 : memref<1040xf32, #tpu.memory_space<vmem_shared>>) offsets(%dma_start3A_374 : memref<128xi32, #tpu.memory_space<vmem>>) semaphore(%arg17 : memref<!tpu.dma_semaphore, #tpu.memory_space<semaphore_mem>>) {add = true}
    %dma_start3A_377 = arith.constant 16 : i32
    %dma_start3A_378 = arith.constant 2048 : i32
    %dma_start3A_379 = tpu.memref_slice %arg11[%dma_start3A_378] : memref<3200xf32, #tpu.memory_space<vmem>> -> memref<128xf32, #tpu.memory_space<vmem>>
    %dma_start3A_380 = arith.constant 0 : i32
    %dma_start3A_381 = tpu.memref_slice %arg9[%dma_start3A_377, %dma_start3A_380] : memref<25x128xi32, #tpu.memory_space<vmem>> -> memref<1x128xi32, #tpu.memory_space<vmem>>
    %dma_start3A_382 = tpu.memref_squeeze %dma_start3A_381 : memref<1x128xi32, #tpu.memory_space<vmem>> -> memref<128xi32, #tpu.memory_space<vmem>>
    %dma_start3A_383 = arith.constant 0 : i32
    %dma_start3A_384 = tpu.memref_slice %arg15[%dma_start3A_383] : memref<1040xf32, #tpu.memory_space<vmem_shared>> -> memref<1040xf32, #tpu.memory_space<vmem_shared>>
    tpu.enqueue_indirect_dma source(%dma_start3A_379 : memref<128xf32, #tpu.memory_space<vmem>>) target(%dma_start3A_384 : memref<1040xf32, #tpu.memory_space<vmem_shared>>) offsets(%dma_start3A_382 : memref<128xi32, #tpu.memory_space<vmem>>) semaphore(%arg17 : memref<!tpu.dma_semaphore, #tpu.memory_space<semaphore_mem>>) {add = true}
    %dma_start3A_385 = arith.constant 17 : i32
    %dma_start3A_386 = arith.constant 2176 : i32
    %dma_start3A_387 = tpu.memref_slice %arg10[%dma_start3A_386] : memref<3200xf32, #tpu.memory_space<vmem>> -> memref<128xf32, #tpu.memory_space<vmem>>
    %dma_start3A_388 = arith.constant 0 : i32
    %dma_start3A_389 = tpu.memref_slice %arg9[%dma_start3A_385, %dma_start3A_388] : memref<25x128xi32, #tpu.memory_space<vmem>> -> memref<1x128xi32, #tpu.memory_space<vmem>>
    %dma_start3A_390 = tpu.memref_squeeze %dma_start3A_389 : memref<1x128xi32, #tpu.memory_space<vmem>> -> memref<128xi32, #tpu.memory_space<vmem>>
    %dma_start3A_391 = arith.constant 0 : i32
    %dma_start3A_392 = tpu.memref_slice %arg14[%dma_start3A_391] : memref<1040xf32, #tpu.memory_space<vmem_shared>> -> memref<1040xf32, #tpu.memory_space<vmem_shared>>
    tpu.enqueue_indirect_dma source(%dma_start3A_387 : memref<128xf32, #tpu.memory_space<vmem>>) target(%dma_start3A_392 : memref<1040xf32, #tpu.memory_space<vmem_shared>>) offsets(%dma_start3A_390 : memref<128xi32, #tpu.memory_space<vmem>>) semaphore(%arg17 : memref<!tpu.dma_semaphore, #tpu.memory_space<semaphore_mem>>) {add = true}
    %dma_start3A_393 = arith.constant 17 : i32
    %dma_start3A_394 = arith.constant 2176 : i32
    %dma_start3A_395 = tpu.memref_slice %arg11[%dma_start3A_394] : memref<3200xf32, #tpu.memory_space<vmem>> -> memref<128xf32, #tpu.memory_space<vmem>>
    %dma_start3A_396 = arith.constant 0 : i32
    %dma_start3A_397 = tpu.memref_slice %arg9[%dma_start3A_393, %dma_start3A_396] : memref<25x128xi32, #tpu.memory_space<vmem>> -> memref<1x128xi32, #tpu.memory_space<vmem>>
    %dma_start3A_398 = tpu.memref_squeeze %dma_start3A_397 : memref<1x128xi32, #tpu.memory_space<vmem>> -> memref<128xi32, #tpu.memory_space<vmem>>
    %dma_start3A_399 = arith.constant 0 : i32
    %dma_start3A_400 = tpu.memref_slice %arg15[%dma_start3A_399] : memref<1040xf32, #tpu.memory_space<vmem_shared>> -> memref<1040xf32, #tpu.memory_space<vmem_shared>>
    tpu.enqueue_indirect_dma source(%dma_start3A_395 : memref<128xf32, #tpu.memory_space<vmem>>) target(%dma_start3A_400 : memref<1040xf32, #tpu.memory_space<vmem_shared>>) offsets(%dma_start3A_398 : memref<128xi32, #tpu.memory_space<vmem>>) semaphore(%arg17 : memref<!tpu.dma_semaphore, #tpu.memory_space<semaphore_mem>>) {add = true}
    %dma_start3A_401 = arith.constant 18 : i32
    %dma_start3A_402 = arith.constant 2304 : i32
    %dma_start3A_403 = tpu.memref_slice %arg10[%dma_start3A_402] : memref<3200xf32, #tpu.memory_space<vmem>> -> memref<128xf32, #tpu.memory_space<vmem>>
    %dma_start3A_404 = arith.constant 0 : i32
    %dma_start3A_405 = tpu.memref_slice %arg9[%dma_start3A_401, %dma_start3A_404] : memref<25x128xi32, #tpu.memory_space<vmem>> -> memref<1x128xi32, #tpu.memory_space<vmem>>
    %dma_start3A_406 = tpu.memref_squeeze %dma_start3A_405 : memref<1x128xi32, #tpu.memory_space<vmem>> -> memref<128xi32, #tpu.memory_space<vmem>>
    %dma_start3A_407 = arith.constant 0 : i32
    %dma_start3A_408 = tpu.memref_slice %arg14[%dma_start3A_407] : memref<1040xf32, #tpu.memory_space<vmem_shared>> -> memref<1040xf32, #tpu.memory_space<vmem_shared>>
    tpu.enqueue_indirect_dma source(%dma_start3A_403 : memref<128xf32, #tpu.memory_space<vmem>>) target(%dma_start3A_408 : memref<1040xf32, #tpu.memory_space<vmem_shared>>) offsets(%dma_start3A_406 : memref<128xi32, #tpu.memory_space<vmem>>) semaphore(%arg17 : memref<!tpu.dma_semaphore, #tpu.memory_space<semaphore_mem>>) {add = true}
    %dma_start3A_409 = arith.constant 18 : i32
    %dma_start3A_410 = arith.constant 2304 : i32
    %dma_start3A_411 = tpu.memref_slice %arg11[%dma_start3A_410] : memref<3200xf32, #tpu.memory_space<vmem>> -> memref<128xf32, #tpu.memory_space<vmem>>
    %dma_start3A_412 = arith.constant 0 : i32
    %dma_start3A_413 = tpu.memref_slice %arg9[%dma_start3A_409, %dma_start3A_412] : memref<25x128xi32, #tpu.memory_space<vmem>> -> memref<1x128xi32, #tpu.memory_space<vmem>>
    %dma_start3A_414 = tpu.memref_squeeze %dma_start3A_413 : memref<1x128xi32, #tpu.memory_space<vmem>> -> memref<128xi32, #tpu.memory_space<vmem>>
    %dma_start3A_415 = arith.constant 0 : i32
    %dma_start3A_416 = tpu.memref_slice %arg15[%dma_start3A_415] : memref<1040xf32, #tpu.memory_space<vmem_shared>> -> memref<1040xf32, #tpu.memory_space<vmem_shared>>
    tpu.enqueue_indirect_dma source(%dma_start3A_411 : memref<128xf32, #tpu.memory_space<vmem>>) target(%dma_start3A_416 : memref<1040xf32, #tpu.memory_space<vmem_shared>>) offsets(%dma_start3A_414 : memref<128xi32, #tpu.memory_space<vmem>>) semaphore(%arg17 : memref<!tpu.dma_semaphore, #tpu.memory_space<semaphore_mem>>) {add = true}
    %dma_start3A_417 = arith.constant 19 : i32
    %dma_start3A_418 = arith.constant 2432 : i32
    %dma_start3A_419 = tpu.memref_slice %arg10[%dma_start3A_418] : memref<3200xf32, #tpu.memory_space<vmem>> -> memref<128xf32, #tpu.memory_space<vmem>>
    %dma_start3A_420 = arith.constant 0 : i32
    %dma_start3A_421 = tpu.memref_slice %arg9[%dma_start3A_417, %dma_start3A_420] : memref<25x128xi32, #tpu.memory_space<vmem>> -> memref<1x128xi32, #tpu.memory_space<vmem>>
    %dma_start3A_422 = tpu.memref_squeeze %dma_start3A_421 : memref<1x128xi32, #tpu.memory_space<vmem>> -> memref<128xi32, #tpu.memory_space<vmem>>
    %dma_start3A_423 = arith.constant 0 : i32
    %dma_start3A_424 = tpu.memref_slice %arg14[%dma_start3A_423] : memref<1040xf32, #tpu.memory_space<vmem_shared>> -> memref<1040xf32, #tpu.memory_space<vmem_shared>>
    tpu.enqueue_indirect_dma source(%dma_start3A_419 : memref<128xf32, #tpu.memory_space<vmem>>) target(%dma_start3A_424 : memref<1040xf32, #tpu.memory_space<vmem_shared>>) offsets(%dma_start3A_422 : memref<128xi32, #tpu.memory_space<vmem>>) semaphore(%arg17 : memref<!tpu.dma_semaphore, #tpu.memory_space<semaphore_mem>>) {add = true}
    %dma_start3A_425 = arith.constant 19 : i32
    %dma_start3A_426 = arith.constant 2432 : i32
    %dma_start3A_427 = tpu.memref_slice %arg11[%dma_start3A_426] : memref<3200xf32, #tpu.memory_space<vmem>> -> memref<128xf32, #tpu.memory_space<vmem>>
    %dma_start3A_428 = arith.constant 0 : i32
    %dma_start3A_429 = tpu.memref_slice %arg9[%dma_start3A_425, %dma_start3A_428] : memref<25x128xi32, #tpu.memory_space<vmem>> -> memref<1x128xi32, #tpu.memory_space<vmem>>
    %dma_start3A_430 = tpu.memref_squeeze %dma_start3A_429 : memref<1x128xi32, #tpu.memory_space<vmem>> -> memref<128xi32, #tpu.memory_space<vmem>>
    %dma_start3A_431 = arith.constant 0 : i32
    %dma_start3A_432 = tpu.memref_slice %arg15[%dma_start3A_431] : memref<1040xf32, #tpu.memory_space<vmem_shared>> -> memref<1040xf32, #tpu.memory_space<vmem_shared>>
    tpu.enqueue_indirect_dma source(%dma_start3A_427 : memref<128xf32, #tpu.memory_space<vmem>>) target(%dma_start3A_432 : memref<1040xf32, #tpu.memory_space<vmem_shared>>) offsets(%dma_start3A_430 : memref<128xi32, #tpu.memory_space<vmem>>) semaphore(%arg17 : memref<!tpu.dma_semaphore, #tpu.memory_space<semaphore_mem>>) {add = true}
    %dma_start3A_433 = arith.constant 20 : i32
    %dma_start3A_434 = arith.constant 2560 : i32
    %dma_start3A_435 = tpu.memref_slice %arg10[%dma_start3A_434] : memref<3200xf32, #tpu.memory_space<vmem>> -> memref<128xf32, #tpu.memory_space<vmem>>
    %dma_start3A_436 = arith.constant 0 : i32
    %dma_start3A_437 = tpu.memref_slice %arg9[%dma_start3A_433, %dma_start3A_436] : memref<25x128xi32, #tpu.memory_space<vmem>> -> memref<1x128xi32, #tpu.memory_space<vmem>>
    %dma_start3A_438 = tpu.memref_squeeze %dma_start3A_437 : memref<1x128xi32, #tpu.memory_space<vmem>> -> memref<128xi32, #tpu.memory_space<vmem>>
    %dma_start3A_439 = arith.constant 0 : i32
    %dma_start3A_440 = tpu.memref_slice %arg14[%dma_start3A_439] : memref<1040xf32, #tpu.memory_space<vmem_shared>> -> memref<1040xf32, #tpu.memory_space<vmem_shared>>
    tpu.enqueue_indirect_dma source(%dma_start3A_435 : memref<128xf32, #tpu.memory_space<vmem>>) target(%dma_start3A_440 : memref<1040xf32, #tpu.memory_space<vmem_shared>>) offsets(%dma_start3A_438 : memref<128xi32, #tpu.memory_space<vmem>>) semaphore(%arg17 : memref<!tpu.dma_semaphore, #tpu.memory_space<semaphore_mem>>) {add = true}
    %dma_start3A_441 = arith.constant 20 : i32
    %dma_start3A_442 = arith.constant 2560 : i32
    %dma_start3A_443 = tpu.memref_slice %arg11[%dma_start3A_442] : memref<3200xf32, #tpu.memory_space<vmem>> -> memref<128xf32, #tpu.memory_space<vmem>>
    %dma_start3A_444 = arith.constant 0 : i32
    %dma_start3A_445 = tpu.memref_slice %arg9[%dma_start3A_441, %dma_start3A_444] : memref<25x128xi32, #tpu.memory_space<vmem>> -> memref<1x128xi32, #tpu.memory_space<vmem>>
    %dma_start3A_446 = tpu.memref_squeeze %dma_start3A_445 : memref<1x128xi32, #tpu.memory_space<vmem>> -> memref<128xi32, #tpu.memory_space<vmem>>
    %dma_start3A_447 = arith.constant 0 : i32
    %dma_start3A_448 = tpu.memref_slice %arg15[%dma_start3A_447] : memref<1040xf32, #tpu.memory_space<vmem_shared>> -> memref<1040xf32, #tpu.memory_space<vmem_shared>>
    tpu.enqueue_indirect_dma source(%dma_start3A_443 : memref<128xf32, #tpu.memory_space<vmem>>) target(%dma_start3A_448 : memref<1040xf32, #tpu.memory_space<vmem_shared>>) offsets(%dma_start3A_446 : memref<128xi32, #tpu.memory_space<vmem>>) semaphore(%arg17 : memref<!tpu.dma_semaphore, #tpu.memory_space<semaphore_mem>>) {add = true}
    %dma_start3A_449 = arith.constant 21 : i32
    %dma_start3A_450 = arith.constant 2688 : i32
    %dma_start3A_451 = tpu.memref_slice %arg10[%dma_start3A_450] : memref<3200xf32, #tpu.memory_space<vmem>> -> memref<128xf32, #tpu.memory_space<vmem>>
    %dma_start3A_452 = arith.constant 0 : i32
    %dma_start3A_453 = tpu.memref_slice %arg9[%dma_start3A_449, %dma_start3A_452] : memref<25x128xi32, #tpu.memory_space<vmem>> -> memref<1x128xi32, #tpu.memory_space<vmem>>
    %dma_start3A_454 = tpu.memref_squeeze %dma_start3A_453 : memref<1x128xi32, #tpu.memory_space<vmem>> -> memref<128xi32, #tpu.memory_space<vmem>>
    %dma_start3A_455 = arith.constant 0 : i32
    %dma_start3A_456 = tpu.memref_slice %arg14[%dma_start3A_455] : memref<1040xf32, #tpu.memory_space<vmem_shared>> -> memref<1040xf32, #tpu.memory_space<vmem_shared>>
    tpu.enqueue_indirect_dma source(%dma_start3A_451 : memref<128xf32, #tpu.memory_space<vmem>>) target(%dma_start3A_456 : memref<1040xf32, #tpu.memory_space<vmem_shared>>) offsets(%dma_start3A_454 : memref<128xi32, #tpu.memory_space<vmem>>) semaphore(%arg17 : memref<!tpu.dma_semaphore, #tpu.memory_space<semaphore_mem>>) {add = true}
    %dma_start3A_457 = arith.constant 21 : i32
    %dma_start3A_458 = arith.constant 2688 : i32
    %dma_start3A_459 = tpu.memref_slice %arg11[%dma_start3A_458] : memref<3200xf32, #tpu.memory_space<vmem>> -> memref<128xf32, #tpu.memory_space<vmem>>
    %dma_start3A_460 = arith.constant 0 : i32
    %dma_start3A_461 = tpu.memref_slice %arg9[%dma_start3A_457, %dma_start3A_460] : memref<25x128xi32, #tpu.memory_space<vmem>> -> memref<1x128xi32, #tpu.memory_space<vmem>>
    %dma_start3A_462 = tpu.memref_squeeze %dma_start3A_461 : memref<1x128xi32, #tpu.memory_space<vmem>> -> memref<128xi32, #tpu.memory_space<vmem>>
    %dma_start3A_463 = arith.constant 0 : i32
    %dma_start3A_464 = tpu.memref_slice %arg15[%dma_start3A_463] : memref<1040xf32, #tpu.memory_space<vmem_shared>> -> memref<1040xf32, #tpu.memory_space<vmem_shared>>
    tpu.enqueue_indirect_dma source(%dma_start3A_459 : memref<128xf32, #tpu.memory_space<vmem>>) target(%dma_start3A_464 : memref<1040xf32, #tpu.memory_space<vmem_shared>>) offsets(%dma_start3A_462 : memref<128xi32, #tpu.memory_space<vmem>>) semaphore(%arg17 : memref<!tpu.dma_semaphore, #tpu.memory_space<semaphore_mem>>) {add = true}
    %dma_start3A_465 = arith.constant 22 : i32
    %dma_start3A_466 = arith.constant 2816 : i32
    %dma_start3A_467 = tpu.memref_slice %arg10[%dma_start3A_466] : memref<3200xf32, #tpu.memory_space<vmem>> -> memref<128xf32, #tpu.memory_space<vmem>>
    %dma_start3A_468 = arith.constant 0 : i32
    %dma_start3A_469 = tpu.memref_slice %arg9[%dma_start3A_465, %dma_start3A_468] : memref<25x128xi32, #tpu.memory_space<vmem>> -> memref<1x128xi32, #tpu.memory_space<vmem>>
    %dma_start3A_470 = tpu.memref_squeeze %dma_start3A_469 : memref<1x128xi32, #tpu.memory_space<vmem>> -> memref<128xi32, #tpu.memory_space<vmem>>
    %dma_start3A_471 = arith.constant 0 : i32
    %dma_start3A_472 = tpu.memref_slice %arg14[%dma_start3A_471] : memref<1040xf32, #tpu.memory_space<vmem_shared>> -> memref<1040xf32, #tpu.memory_space<vmem_shared>>
    tpu.enqueue_indirect_dma source(%dma_start3A_467 : memref<128xf32, #tpu.memory_space<vmem>>) target(%dma_start3A_472 : memref<1040xf32, #tpu.memory_space<vmem_shared>>) offsets(%dma_start3A_470 : memref<128xi32, #tpu.memory_space<vmem>>) semaphore(%arg17 : memref<!tpu.dma_semaphore, #tpu.memory_space<semaphore_mem>>) {add = true}
    %dma_start3A_473 = arith.constant 22 : i32
    %dma_start3A_474 = arith.constant 2816 : i32
    %dma_start3A_475 = tpu.memref_slice %arg11[%dma_start3A_474] : memref<3200xf32, #tpu.memory_space<vmem>> -> memref<128xf32, #tpu.memory_space<vmem>>
    %dma_start3A_476 = arith.constant 0 : i32
    %dma_start3A_477 = tpu.memref_slice %arg9[%dma_start3A_473, %dma_start3A_476] : memref<25x128xi32, #tpu.memory_space<vmem>> -> memref<1x128xi32, #tpu.memory_space<vmem>>
    %dma_start3A_478 = tpu.memref_squeeze %dma_start3A_477 : memref<1x128xi32, #tpu.memory_space<vmem>> -> memref<128xi32, #tpu.memory_space<vmem>>
    %dma_start3A_479 = arith.constant 0 : i32
    %dma_start3A_480 = tpu.memref_slice %arg15[%dma_start3A_479] : memref<1040xf32, #tpu.memory_space<vmem_shared>> -> memref<1040xf32, #tpu.memory_space<vmem_shared>>
    tpu.enqueue_indirect_dma source(%dma_start3A_475 : memref<128xf32, #tpu.memory_space<vmem>>) target(%dma_start3A_480 : memref<1040xf32, #tpu.memory_space<vmem_shared>>) offsets(%dma_start3A_478 : memref<128xi32, #tpu.memory_space<vmem>>) semaphore(%arg17 : memref<!tpu.dma_semaphore, #tpu.memory_space<semaphore_mem>>) {add = true}
    %dma_start3A_481 = arith.constant 23 : i32
    %dma_start3A_482 = arith.constant 2944 : i32
    %dma_start3A_483 = tpu.memref_slice %arg10[%dma_start3A_482] : memref<3200xf32, #tpu.memory_space<vmem>> -> memref<128xf32, #tpu.memory_space<vmem>>
    %dma_start3A_484 = arith.constant 0 : i32
    %dma_start3A_485 = tpu.memref_slice %arg9[%dma_start3A_481, %dma_start3A_484] : memref<25x128xi32, #tpu.memory_space<vmem>> -> memref<1x128xi32, #tpu.memory_space<vmem>>
    %dma_start3A_486 = tpu.memref_squeeze %dma_start3A_485 : memref<1x128xi32, #tpu.memory_space<vmem>> -> memref<128xi32, #tpu.memory_space<vmem>>
    %dma_start3A_487 = arith.constant 0 : i32
    %dma_start3A_488 = tpu.memref_slice %arg14[%dma_start3A_487] : memref<1040xf32, #tpu.memory_space<vmem_shared>> -> memref<1040xf32, #tpu.memory_space<vmem_shared>>
    tpu.enqueue_indirect_dma source(%dma_start3A_483 : memref<128xf32, #tpu.memory_space<vmem>>) target(%dma_start3A_488 : memref<1040xf32, #tpu.memory_space<vmem_shared>>) offsets(%dma_start3A_486 : memref<128xi32, #tpu.memory_space<vmem>>) semaphore(%arg17 : memref<!tpu.dma_semaphore, #tpu.memory_space<semaphore_mem>>) {add = true}
    %dma_start3A_489 = arith.constant 23 : i32
    %dma_start3A_490 = arith.constant 2944 : i32
    %dma_start3A_491 = tpu.memref_slice %arg11[%dma_start3A_490] : memref<3200xf32, #tpu.memory_space<vmem>> -> memref<128xf32, #tpu.memory_space<vmem>>
    %dma_start3A_492 = arith.constant 0 : i32
    %dma_start3A_493 = tpu.memref_slice %arg9[%dma_start3A_489, %dma_start3A_492] : memref<25x128xi32, #tpu.memory_space<vmem>> -> memref<1x128xi32, #tpu.memory_space<vmem>>
    %dma_start3A_494 = tpu.memref_squeeze %dma_start3A_493 : memref<1x128xi32, #tpu.memory_space<vmem>> -> memref<128xi32, #tpu.memory_space<vmem>>
    %dma_start3A_495 = arith.constant 0 : i32
    %dma_start3A_496 = tpu.memref_slice %arg15[%dma_start3A_495] : memref<1040xf32, #tpu.memory_space<vmem_shared>> -> memref<1040xf32, #tpu.memory_space<vmem_shared>>
    tpu.enqueue_indirect_dma source(%dma_start3A_491 : memref<128xf32, #tpu.memory_space<vmem>>) target(%dma_start3A_496 : memref<1040xf32, #tpu.memory_space<vmem_shared>>) offsets(%dma_start3A_494 : memref<128xi32, #tpu.memory_space<vmem>>) semaphore(%arg17 : memref<!tpu.dma_semaphore, #tpu.memory_space<semaphore_mem>>) {add = true}
    %dma_start3A_497 = arith.constant 24 : i32
    %dma_start3A_498 = arith.constant 3072 : i32
    %dma_start3A_499 = tpu.memref_slice %arg10[%dma_start3A_498] : memref<3200xf32, #tpu.memory_space<vmem>> -> memref<128xf32, #tpu.memory_space<vmem>>
    %dma_start3A_500 = arith.constant 0 : i32
    %dma_start3A_501 = tpu.memref_slice %arg9[%dma_start3A_497, %dma_start3A_500] : memref<25x128xi32, #tpu.memory_space<vmem>> -> memref<1x128xi32, #tpu.memory_space<vmem>>
    %dma_start3A_502 = tpu.memref_squeeze %dma_start3A_501 : memref<1x128xi32, #tpu.memory_space<vmem>> -> memref<128xi32, #tpu.memory_space<vmem>>
    %dma_start3A_503 = arith.constant 0 : i32
    %dma_start3A_504 = tpu.memref_slice %arg14[%dma_start3A_503] : memref<1040xf32, #tpu.memory_space<vmem_shared>> -> memref<1040xf32, #tpu.memory_space<vmem_shared>>
    tpu.enqueue_indirect_dma source(%dma_start3A_499 : memref<128xf32, #tpu.memory_space<vmem>>) target(%dma_start3A_504 : memref<1040xf32, #tpu.memory_space<vmem_shared>>) offsets(%dma_start3A_502 : memref<128xi32, #tpu.memory_space<vmem>>) semaphore(%arg17 : memref<!tpu.dma_semaphore, #tpu.memory_space<semaphore_mem>>) {add = true}
    %dma_start3A_505 = arith.constant 24 : i32
    %dma_start3A_506 = arith.constant 3072 : i32
    %dma_start3A_507 = tpu.memref_slice %arg11[%dma_start3A_506] : memref<3200xf32, #tpu.memory_space<vmem>> -> memref<128xf32, #tpu.memory_space<vmem>>
    %dma_start3A_508 = arith.constant 0 : i32
    %dma_start3A_509 = tpu.memref_slice %arg9[%dma_start3A_505, %dma_start3A_508] : memref<25x128xi32, #tpu.memory_space<vmem>> -> memref<1x128xi32, #tpu.memory_space<vmem>>
    %dma_start3A_510 = tpu.memref_squeeze %dma_start3A_509 : memref<1x128xi32, #tpu.memory_space<vmem>> -> memref<128xi32, #tpu.memory_space<vmem>>
    %dma_start3A_511 = arith.constant 0 : i32
    %dma_start3A_512 = tpu.memref_slice %arg15[%dma_start3A_511] : memref<1040xf32, #tpu.memory_space<vmem_shared>> -> memref<1040xf32, #tpu.memory_space<vmem_shared>>
    tpu.enqueue_indirect_dma source(%dma_start3A_507 : memref<128xf32, #tpu.memory_space<vmem>>) target(%dma_start3A_512 : memref<1040xf32, #tpu.memory_space<vmem_shared>>) offsets(%dma_start3A_510 : memref<128xi32, #tpu.memory_space<vmem>>) semaphore(%arg17 : memref<!tpu.dma_semaphore, #tpu.memory_space<semaphore_mem>>) {add = true}
    %dma_wait3A_513 = arith.constant 0 : i32
    %dma_wait3A_514 = arith.constant 0 : i32
    %dma_wait3A_515 = tpu.memref_slice %arg10[%dma_wait3A_514] : memref<3200xf32, #tpu.memory_space<vmem>> -> memref<128xf32, #tpu.memory_space<vmem>>
    %dma_wait3A_516 = arith.constant 0 : i32
    %dma_wait3A_517 = tpu.memref_slice %arg9[%dma_wait3A_513, %dma_wait3A_516] : memref<25x128xi32, #tpu.memory_space<vmem>> -> memref<1x128xi32, #tpu.memory_space<vmem>>
    %dma_wait3A_518 = tpu.memref_squeeze %dma_wait3A_517 : memref<1x128xi32, #tpu.memory_space<vmem>> -> memref<128xi32, #tpu.memory_space<vmem>>
    %dma_wait3A_519 = arith.constant 0 : i32
    %dma_wait3A_520 = tpu.memref_slice %arg14[%dma_wait3A_519] : memref<1040xf32, #tpu.memory_space<vmem_shared>> -> memref<1040xf32, #tpu.memory_space<vmem_shared>>
    tpu.wait_indirect_dma semaphore(%arg17 : memref<!tpu.dma_semaphore, #tpu.memory_space<semaphore_mem>>) src(%dma_wait3A_515 : memref<128xf32, #tpu.memory_space<vmem>>) dst(%dma_wait3A_520 : memref<1040xf32, #tpu.memory_space<vmem_shared>>)
    %dma_wait3A_521 = arith.constant 0 : i32
    %dma_wait3A_522 = arith.constant 0 : i32
    %dma_wait3A_523 = tpu.memref_slice %arg11[%dma_wait3A_522] : memref<3200xf32, #tpu.memory_space<vmem>> -> memref<128xf32, #tpu.memory_space<vmem>>
    %dma_wait3A_524 = arith.constant 0 : i32
    %dma_wait3A_525 = tpu.memref_slice %arg9[%dma_wait3A_521, %dma_wait3A_524] : memref<25x128xi32, #tpu.memory_space<vmem>> -> memref<1x128xi32, #tpu.memory_space<vmem>>
    %dma_wait3A_526 = tpu.memref_squeeze %dma_wait3A_525 : memref<1x128xi32, #tpu.memory_space<vmem>> -> memref<128xi32, #tpu.memory_space<vmem>>
    %dma_wait3A_527 = arith.constant 0 : i32
    %dma_wait3A_528 = tpu.memref_slice %arg15[%dma_wait3A_527] : memref<1040xf32, #tpu.memory_space<vmem_shared>> -> memref<1040xf32, #tpu.memory_space<vmem_shared>>
    tpu.wait_indirect_dma semaphore(%arg17 : memref<!tpu.dma_semaphore, #tpu.memory_space<semaphore_mem>>) src(%dma_wait3A_523 : memref<128xf32, #tpu.memory_space<vmem>>) dst(%dma_wait3A_528 : memref<1040xf32, #tpu.memory_space<vmem_shared>>)
    %dma_wait3A_529 = arith.constant 1 : i32
    %dma_wait3A_530 = arith.constant 128 : i32
    %dma_wait3A_531 = tpu.memref_slice %arg10[%dma_wait3A_530] : memref<3200xf32, #tpu.memory_space<vmem>> -> memref<128xf32, #tpu.memory_space<vmem>>
    %dma_wait3A_532 = arith.constant 0 : i32
    %dma_wait3A_533 = tpu.memref_slice %arg9[%dma_wait3A_529, %dma_wait3A_532] : memref<25x128xi32, #tpu.memory_space<vmem>> -> memref<1x128xi32, #tpu.memory_space<vmem>>
    %dma_wait3A_534 = tpu.memref_squeeze %dma_wait3A_533 : memref<1x128xi32, #tpu.memory_space<vmem>> -> memref<128xi32, #tpu.memory_space<vmem>>
    %dma_wait3A_535 = arith.constant 0 : i32
    %dma_wait3A_536 = tpu.memref_slice %arg14[%dma_wait3A_535] : memref<1040xf32, #tpu.memory_space<vmem_shared>> -> memref<1040xf32, #tpu.memory_space<vmem_shared>>
    tpu.wait_indirect_dma semaphore(%arg17 : memref<!tpu.dma_semaphore, #tpu.memory_space<semaphore_mem>>) src(%dma_wait3A_531 : memref<128xf32, #tpu.memory_space<vmem>>) dst(%dma_wait3A_536 : memref<1040xf32, #tpu.memory_space<vmem_shared>>)
    %dma_wait3A_537 = arith.constant 1 : i32
    %dma_wait3A_538 = arith.constant 128 : i32
    %dma_wait3A_539 = tpu.memref_slice %arg11[%dma_wait3A_538] : memref<3200xf32, #tpu.memory_space<vmem>> -> memref<128xf32, #tpu.memory_space<vmem>>
    %dma_wait3A_540 = arith.constant 0 : i32
    %dma_wait3A_541 = tpu.memref_slice %arg9[%dma_wait3A_537, %dma_wait3A_540] : memref<25x128xi32, #tpu.memory_space<vmem>> -> memref<1x128xi32, #tpu.memory_space<vmem>>
    %dma_wait3A_542 = tpu.memref_squeeze %dma_wait3A_541 : memref<1x128xi32, #tpu.memory_space<vmem>> -> memref<128xi32, #tpu.memory_space<vmem>>
    %dma_wait3A_543 = arith.constant 0 : i32
    %dma_wait3A_544 = tpu.memref_slice %arg15[%dma_wait3A_543] : memref<1040xf32, #tpu.memory_space<vmem_shared>> -> memref<1040xf32, #tpu.memory_space<vmem_shared>>
    tpu.wait_indirect_dma semaphore(%arg17 : memref<!tpu.dma_semaphore, #tpu.memory_space<semaphore_mem>>) src(%dma_wait3A_539 : memref<128xf32, #tpu.memory_space<vmem>>) dst(%dma_wait3A_544 : memref<1040xf32, #tpu.memory_space<vmem_shared>>)
    %dma_wait3A_545 = arith.constant 2 : i32
    %dma_wait3A_546 = arith.constant 256 : i32
    %dma_wait3A_547 = tpu.memref_slice %arg10[%dma_wait3A_546] : memref<3200xf32, #tpu.memory_space<vmem>> -> memref<128xf32, #tpu.memory_space<vmem>>
    %dma_wait3A_548 = arith.constant 0 : i32
    %dma_wait3A_549 = tpu.memref_slice %arg9[%dma_wait3A_545, %dma_wait3A_548] : memref<25x128xi32, #tpu.memory_space<vmem>> -> memref<1x128xi32, #tpu.memory_space<vmem>>
    %dma_wait3A_550 = tpu.memref_squeeze %dma_wait3A_549 : memref<1x128xi32, #tpu.memory_space<vmem>> -> memref<128xi32, #tpu.memory_space<vmem>>
    %dma_wait3A_551 = arith.constant 0 : i32
    %dma_wait3A_552 = tpu.memref_slice %arg14[%dma_wait3A_551] : memref<1040xf32, #tpu.memory_space<vmem_shared>> -> memref<1040xf32, #tpu.memory_space<vmem_shared>>
    tpu.wait_indirect_dma semaphore(%arg17 : memref<!tpu.dma_semaphore, #tpu.memory_space<semaphore_mem>>) src(%dma_wait3A_547 : memref<128xf32, #tpu.memory_space<vmem>>) dst(%dma_wait3A_552 : memref<1040xf32, #tpu.memory_space<vmem_shared>>)
    %dma_wait3A_553 = arith.constant 2 : i32
    %dma_wait3A_554 = arith.constant 256 : i32
    %dma_wait3A_555 = tpu.memref_slice %arg11[%dma_wait3A_554] : memref<3200xf32, #tpu.memory_space<vmem>> -> memref<128xf32, #tpu.memory_space<vmem>>
    %dma_wait3A_556 = arith.constant 0 : i32
    %dma_wait3A_557 = tpu.memref_slice %arg9[%dma_wait3A_553, %dma_wait3A_556] : memref<25x128xi32, #tpu.memory_space<vmem>> -> memref<1x128xi32, #tpu.memory_space<vmem>>
    %dma_wait3A_558 = tpu.memref_squeeze %dma_wait3A_557 : memref<1x128xi32, #tpu.memory_space<vmem>> -> memref<128xi32, #tpu.memory_space<vmem>>
    %dma_wait3A_559 = arith.constant 0 : i32
    %dma_wait3A_560 = tpu.memref_slice %arg15[%dma_wait3A_559] : memref<1040xf32, #tpu.memory_space<vmem_shared>> -> memref<1040xf32, #tpu.memory_space<vmem_shared>>
    tpu.wait_indirect_dma semaphore(%arg17 : memref<!tpu.dma_semaphore, #tpu.memory_space<semaphore_mem>>) src(%dma_wait3A_555 : memref<128xf32, #tpu.memory_space<vmem>>) dst(%dma_wait3A_560 : memref<1040xf32, #tpu.memory_space<vmem_shared>>)
    %dma_wait3A_561 = arith.constant 3 : i32
    %dma_wait3A_562 = arith.constant 384 : i32
    %dma_wait3A_563 = tpu.memref_slice %arg10[%dma_wait3A_562] : memref<3200xf32, #tpu.memory_space<vmem>> -> memref<128xf32, #tpu.memory_space<vmem>>
    %dma_wait3A_564 = arith.constant 0 : i32
    %dma_wait3A_565 = tpu.memref_slice %arg9[%dma_wait3A_561, %dma_wait3A_564] : memref<25x128xi32, #tpu.memory_space<vmem>> -> memref<1x128xi32, #tpu.memory_space<vmem>>
    %dma_wait3A_566 = tpu.memref_squeeze %dma_wait3A_565 : memref<1x128xi32, #tpu.memory_space<vmem>> -> memref<128xi32, #tpu.memory_space<vmem>>
    %dma_wait3A_567 = arith.constant 0 : i32
    %dma_wait3A_568 = tpu.memref_slice %arg14[%dma_wait3A_567] : memref<1040xf32, #tpu.memory_space<vmem_shared>> -> memref<1040xf32, #tpu.memory_space<vmem_shared>>
    tpu.wait_indirect_dma semaphore(%arg17 : memref<!tpu.dma_semaphore, #tpu.memory_space<semaphore_mem>>) src(%dma_wait3A_563 : memref<128xf32, #tpu.memory_space<vmem>>) dst(%dma_wait3A_568 : memref<1040xf32, #tpu.memory_space<vmem_shared>>)
    %dma_wait3A_569 = arith.constant 3 : i32
    %dma_wait3A_570 = arith.constant 384 : i32
    %dma_wait3A_571 = tpu.memref_slice %arg11[%dma_wait3A_570] : memref<3200xf32, #tpu.memory_space<vmem>> -> memref<128xf32, #tpu.memory_space<vmem>>
    %dma_wait3A_572 = arith.constant 0 : i32
    %dma_wait3A_573 = tpu.memref_slice %arg9[%dma_wait3A_569, %dma_wait3A_572] : memref<25x128xi32, #tpu.memory_space<vmem>> -> memref<1x128xi32, #tpu.memory_space<vmem>>
    %dma_wait3A_574 = tpu.memref_squeeze %dma_wait3A_573 : memref<1x128xi32, #tpu.memory_space<vmem>> -> memref<128xi32, #tpu.memory_space<vmem>>
    %dma_wait3A_575 = arith.constant 0 : i32
    %dma_wait3A_576 = tpu.memref_slice %arg15[%dma_wait3A_575] : memref<1040xf32, #tpu.memory_space<vmem_shared>> -> memref<1040xf32, #tpu.memory_space<vmem_shared>>
    tpu.wait_indirect_dma semaphore(%arg17 : memref<!tpu.dma_semaphore, #tpu.memory_space<semaphore_mem>>) src(%dma_wait3A_571 : memref<128xf32, #tpu.memory_space<vmem>>) dst(%dma_wait3A_576 : memref<1040xf32, #tpu.memory_space<vmem_shared>>)
    %dma_wait3A_577 = arith.constant 4 : i32
    %dma_wait3A_578 = arith.constant 512 : i32
    %dma_wait3A_579 = tpu.memref_slice %arg10[%dma_wait3A_578] : memref<3200xf32, #tpu.memory_space<vmem>> -> memref<128xf32, #tpu.memory_space<vmem>>
    %dma_wait3A_580 = arith.constant 0 : i32
    %dma_wait3A_581 = tpu.memref_slice %arg9[%dma_wait3A_577, %dma_wait3A_580] : memref<25x128xi32, #tpu.memory_space<vmem>> -> memref<1x128xi32, #tpu.memory_space<vmem>>
    %dma_wait3A_582 = tpu.memref_squeeze %dma_wait3A_581 : memref<1x128xi32, #tpu.memory_space<vmem>> -> memref<128xi32, #tpu.memory_space<vmem>>
    %dma_wait3A_583 = arith.constant 0 : i32
    %dma_wait3A_584 = tpu.memref_slice %arg14[%dma_wait3A_583] : memref<1040xf32, #tpu.memory_space<vmem_shared>> -> memref<1040xf32, #tpu.memory_space<vmem_shared>>
    tpu.wait_indirect_dma semaphore(%arg17 : memref<!tpu.dma_semaphore, #tpu.memory_space<semaphore_mem>>) src(%dma_wait3A_579 : memref<128xf32, #tpu.memory_space<vmem>>) dst(%dma_wait3A_584 : memref<1040xf32, #tpu.memory_space<vmem_shared>>)
    %dma_wait3A_585 = arith.constant 4 : i32
    %dma_wait3A_586 = arith.constant 512 : i32
    %dma_wait3A_587 = tpu.memref_slice %arg11[%dma_wait3A_586] : memref<3200xf32, #tpu.memory_space<vmem>> -> memref<128xf32, #tpu.memory_space<vmem>>
    %dma_wait3A_588 = arith.constant 0 : i32
    %dma_wait3A_589 = tpu.memref_slice %arg9[%dma_wait3A_585, %dma_wait3A_588] : memref<25x128xi32, #tpu.memory_space<vmem>> -> memref<1x128xi32, #tpu.memory_space<vmem>>
    %dma_wait3A_590 = tpu.memref_squeeze %dma_wait3A_589 : memref<1x128xi32, #tpu.memory_space<vmem>> -> memref<128xi32, #tpu.memory_space<vmem>>
    %dma_wait3A_591 = arith.constant 0 : i32
    %dma_wait3A_592 = tpu.memref_slice %arg15[%dma_wait3A_591] : memref<1040xf32, #tpu.memory_space<vmem_shared>> -> memref<1040xf32, #tpu.memory_space<vmem_shared>>
    tpu.wait_indirect_dma semaphore(%arg17 : memref<!tpu.dma_semaphore, #tpu.memory_space<semaphore_mem>>) src(%dma_wait3A_587 : memref<128xf32, #tpu.memory_space<vmem>>) dst(%dma_wait3A_592 : memref<1040xf32, #tpu.memory_space<vmem_shared>>)
    %dma_wait3A_593 = arith.constant 5 : i32
    %dma_wait3A_594 = arith.constant 640 : i32
    %dma_wait3A_595 = tpu.memref_slice %arg10[%dma_wait3A_594] : memref<3200xf32, #tpu.memory_space<vmem>> -> memref<128xf32, #tpu.memory_space<vmem>>
    %dma_wait3A_596 = arith.constant 0 : i32
    %dma_wait3A_597 = tpu.memref_slice %arg9[%dma_wait3A_593, %dma_wait3A_596] : memref<25x128xi32, #tpu.memory_space<vmem>> -> memref<1x128xi32, #tpu.memory_space<vmem>>
    %dma_wait3A_598 = tpu.memref_squeeze %dma_wait3A_597 : memref<1x128xi32, #tpu.memory_space<vmem>> -> memref<128xi32, #tpu.memory_space<vmem>>
    %dma_wait3A_599 = arith.constant 0 : i32
    %dma_wait3A_600 = tpu.memref_slice %arg14[%dma_wait3A_599] : memref<1040xf32, #tpu.memory_space<vmem_shared>> -> memref<1040xf32, #tpu.memory_space<vmem_shared>>
    tpu.wait_indirect_dma semaphore(%arg17 : memref<!tpu.dma_semaphore, #tpu.memory_space<semaphore_mem>>) src(%dma_wait3A_595 : memref<128xf32, #tpu.memory_space<vmem>>) dst(%dma_wait3A_600 : memref<1040xf32, #tpu.memory_space<vmem_shared>>)
    %dma_wait3A_601 = arith.constant 5 : i32
    %dma_wait3A_602 = arith.constant 640 : i32
    %dma_wait3A_603 = tpu.memref_slice %arg11[%dma_wait3A_602] : memref<3200xf32, #tpu.memory_space<vmem>> -> memref<128xf32, #tpu.memory_space<vmem>>
    %dma_wait3A_604 = arith.constant 0 : i32
    %dma_wait3A_605 = tpu.memref_slice %arg9[%dma_wait3A_601, %dma_wait3A_604] : memref<25x128xi32, #tpu.memory_space<vmem>> -> memref<1x128xi32, #tpu.memory_space<vmem>>
    %dma_wait3A_606 = tpu.memref_squeeze %dma_wait3A_605 : memref<1x128xi32, #tpu.memory_space<vmem>> -> memref<128xi32, #tpu.memory_space<vmem>>
    %dma_wait3A_607 = arith.constant 0 : i32
    %dma_wait3A_608 = tpu.memref_slice %arg15[%dma_wait3A_607] : memref<1040xf32, #tpu.memory_space<vmem_shared>> -> memref<1040xf32, #tpu.memory_space<vmem_shared>>
    tpu.wait_indirect_dma semaphore(%arg17 : memref<!tpu.dma_semaphore, #tpu.memory_space<semaphore_mem>>) src(%dma_wait3A_603 : memref<128xf32, #tpu.memory_space<vmem>>) dst(%dma_wait3A_608 : memref<1040xf32, #tpu.memory_space<vmem_shared>>)
    %dma_wait3A_609 = arith.constant 6 : i32
    %dma_wait3A_610 = arith.constant 768 : i32
    %dma_wait3A_611 = tpu.memref_slice %arg10[%dma_wait3A_610] : memref<3200xf32, #tpu.memory_space<vmem>> -> memref<128xf32, #tpu.memory_space<vmem>>
    %dma_wait3A_612 = arith.constant 0 : i32
    %dma_wait3A_613 = tpu.memref_slice %arg9[%dma_wait3A_609, %dma_wait3A_612] : memref<25x128xi32, #tpu.memory_space<vmem>> -> memref<1x128xi32, #tpu.memory_space<vmem>>
    %dma_wait3A_614 = tpu.memref_squeeze %dma_wait3A_613 : memref<1x128xi32, #tpu.memory_space<vmem>> -> memref<128xi32, #tpu.memory_space<vmem>>
    %dma_wait3A_615 = arith.constant 0 : i32
    %dma_wait3A_616 = tpu.memref_slice %arg14[%dma_wait3A_615] : memref<1040xf32, #tpu.memory_space<vmem_shared>> -> memref<1040xf32, #tpu.memory_space<vmem_shared>>
    tpu.wait_indirect_dma semaphore(%arg17 : memref<!tpu.dma_semaphore, #tpu.memory_space<semaphore_mem>>) src(%dma_wait3A_611 : memref<128xf32, #tpu.memory_space<vmem>>) dst(%dma_wait3A_616 : memref<1040xf32, #tpu.memory_space<vmem_shared>>)
    %dma_wait3A_617 = arith.constant 6 : i32
    %dma_wait3A_618 = arith.constant 768 : i32
    %dma_wait3A_619 = tpu.memref_slice %arg11[%dma_wait3A_618] : memref<3200xf32, #tpu.memory_space<vmem>> -> memref<128xf32, #tpu.memory_space<vmem>>
    %dma_wait3A_620 = arith.constant 0 : i32
    %dma_wait3A_621 = tpu.memref_slice %arg9[%dma_wait3A_617, %dma_wait3A_620] : memref<25x128xi32, #tpu.memory_space<vmem>> -> memref<1x128xi32, #tpu.memory_space<vmem>>
    %dma_wait3A_622 = tpu.memref_squeeze %dma_wait3A_621 : memref<1x128xi32, #tpu.memory_space<vmem>> -> memref<128xi32, #tpu.memory_space<vmem>>
    %dma_wait3A_623 = arith.constant 0 : i32
    %dma_wait3A_624 = tpu.memref_slice %arg15[%dma_wait3A_623] : memref<1040xf32, #tpu.memory_space<vmem_shared>> -> memref<1040xf32, #tpu.memory_space<vmem_shared>>
    tpu.wait_indirect_dma semaphore(%arg17 : memref<!tpu.dma_semaphore, #tpu.memory_space<semaphore_mem>>) src(%dma_wait3A_619 : memref<128xf32, #tpu.memory_space<vmem>>) dst(%dma_wait3A_624 : memref<1040xf32, #tpu.memory_space<vmem_shared>>)
    %dma_wait3A_625 = arith.constant 7 : i32
    %dma_wait3A_626 = arith.constant 896 : i32
    %dma_wait3A_627 = tpu.memref_slice %arg10[%dma_wait3A_626] : memref<3200xf32, #tpu.memory_space<vmem>> -> memref<128xf32, #tpu.memory_space<vmem>>
    %dma_wait3A_628 = arith.constant 0 : i32
    %dma_wait3A_629 = tpu.memref_slice %arg9[%dma_wait3A_625, %dma_wait3A_628] : memref<25x128xi32, #tpu.memory_space<vmem>> -> memref<1x128xi32, #tpu.memory_space<vmem>>
    %dma_wait3A_630 = tpu.memref_squeeze %dma_wait3A_629 : memref<1x128xi32, #tpu.memory_space<vmem>> -> memref<128xi32, #tpu.memory_space<vmem>>
    %dma_wait3A_631 = arith.constant 0 : i32
    %dma_wait3A_632 = tpu.memref_slice %arg14[%dma_wait3A_631] : memref<1040xf32, #tpu.memory_space<vmem_shared>> -> memref<1040xf32, #tpu.memory_space<vmem_shared>>
    tpu.wait_indirect_dma semaphore(%arg17 : memref<!tpu.dma_semaphore, #tpu.memory_space<semaphore_mem>>) src(%dma_wait3A_627 : memref<128xf32, #tpu.memory_space<vmem>>) dst(%dma_wait3A_632 : memref<1040xf32, #tpu.memory_space<vmem_shared>>)
    %dma_wait3A_633 = arith.constant 7 : i32
    %dma_wait3A_634 = arith.constant 896 : i32
    %dma_wait3A_635 = tpu.memref_slice %arg11[%dma_wait3A_634] : memref<3200xf32, #tpu.memory_space<vmem>> -> memref<128xf32, #tpu.memory_space<vmem>>
    %dma_wait3A_636 = arith.constant 0 : i32
    %dma_wait3A_637 = tpu.memref_slice %arg9[%dma_wait3A_633, %dma_wait3A_636] : memref<25x128xi32, #tpu.memory_space<vmem>> -> memref<1x128xi32, #tpu.memory_space<vmem>>
    %dma_wait3A_638 = tpu.memref_squeeze %dma_wait3A_637 : memref<1x128xi32, #tpu.memory_space<vmem>> -> memref<128xi32, #tpu.memory_space<vmem>>
    %dma_wait3A_639 = arith.constant 0 : i32
    %dma_wait3A_640 = tpu.memref_slice %arg15[%dma_wait3A_639] : memref<1040xf32, #tpu.memory_space<vmem_shared>> -> memref<1040xf32, #tpu.memory_space<vmem_shared>>
    tpu.wait_indirect_dma semaphore(%arg17 : memref<!tpu.dma_semaphore, #tpu.memory_space<semaphore_mem>>) src(%dma_wait3A_635 : memref<128xf32, #tpu.memory_space<vmem>>) dst(%dma_wait3A_640 : memref<1040xf32, #tpu.memory_space<vmem_shared>>)
    %dma_wait3A_641 = arith.constant 8 : i32
    %dma_wait3A_642 = arith.constant 1024 : i32
    %dma_wait3A_643 = tpu.memref_slice %arg10[%dma_wait3A_642] : memref<3200xf32, #tpu.memory_space<vmem>> -> memref<128xf32, #tpu.memory_space<vmem>>
    %dma_wait3A_644 = arith.constant 0 : i32
    %dma_wait3A_645 = tpu.memref_slice %arg9[%dma_wait3A_641, %dma_wait3A_644] : memref<25x128xi32, #tpu.memory_space<vmem>> -> memref<1x128xi32, #tpu.memory_space<vmem>>
    %dma_wait3A_646 = tpu.memref_squeeze %dma_wait3A_645 : memref<1x128xi32, #tpu.memory_space<vmem>> -> memref<128xi32, #tpu.memory_space<vmem>>
    %dma_wait3A_647 = arith.constant 0 : i32
    %dma_wait3A_648 = tpu.memref_slice %arg14[%dma_wait3A_647] : memref<1040xf32, #tpu.memory_space<vmem_shared>> -> memref<1040xf32, #tpu.memory_space<vmem_shared>>
    tpu.wait_indirect_dma semaphore(%arg17 : memref<!tpu.dma_semaphore, #tpu.memory_space<semaphore_mem>>) src(%dma_wait3A_643 : memref<128xf32, #tpu.memory_space<vmem>>) dst(%dma_wait3A_648 : memref<1040xf32, #tpu.memory_space<vmem_shared>>)
    %dma_wait3A_649 = arith.constant 8 : i32
    %dma_wait3A_650 = arith.constant 1024 : i32
    %dma_wait3A_651 = tpu.memref_slice %arg11[%dma_wait3A_650] : memref<3200xf32, #tpu.memory_space<vmem>> -> memref<128xf32, #tpu.memory_space<vmem>>
    %dma_wait3A_652 = arith.constant 0 : i32
    %dma_wait3A_653 = tpu.memref_slice %arg9[%dma_wait3A_649, %dma_wait3A_652] : memref<25x128xi32, #tpu.memory_space<vmem>> -> memref<1x128xi32, #tpu.memory_space<vmem>>
    %dma_wait3A_654 = tpu.memref_squeeze %dma_wait3A_653 : memref<1x128xi32, #tpu.memory_space<vmem>> -> memref<128xi32, #tpu.memory_space<vmem>>
    %dma_wait3A_655 = arith.constant 0 : i32
    %dma_wait3A_656 = tpu.memref_slice %arg15[%dma_wait3A_655] : memref<1040xf32, #tpu.memory_space<vmem_shared>> -> memref<1040xf32, #tpu.memory_space<vmem_shared>>
    tpu.wait_indirect_dma semaphore(%arg17 : memref<!tpu.dma_semaphore, #tpu.memory_space<semaphore_mem>>) src(%dma_wait3A_651 : memref<128xf32, #tpu.memory_space<vmem>>) dst(%dma_wait3A_656 : memref<1040xf32, #tpu.memory_space<vmem_shared>>)
    %dma_wait3A_657 = arith.constant 9 : i32
    %dma_wait3A_658 = arith.constant 1152 : i32
    %dma_wait3A_659 = tpu.memref_slice %arg10[%dma_wait3A_658] : memref<3200xf32, #tpu.memory_space<vmem>> -> memref<128xf32, #tpu.memory_space<vmem>>
    %dma_wait3A_660 = arith.constant 0 : i32
    %dma_wait3A_661 = tpu.memref_slice %arg9[%dma_wait3A_657, %dma_wait3A_660] : memref<25x128xi32, #tpu.memory_space<vmem>> -> memref<1x128xi32, #tpu.memory_space<vmem>>
    %dma_wait3A_662 = tpu.memref_squeeze %dma_wait3A_661 : memref<1x128xi32, #tpu.memory_space<vmem>> -> memref<128xi32, #tpu.memory_space<vmem>>
    %dma_wait3A_663 = arith.constant 0 : i32
    %dma_wait3A_664 = tpu.memref_slice %arg14[%dma_wait3A_663] : memref<1040xf32, #tpu.memory_space<vmem_shared>> -> memref<1040xf32, #tpu.memory_space<vmem_shared>>
    tpu.wait_indirect_dma semaphore(%arg17 : memref<!tpu.dma_semaphore, #tpu.memory_space<semaphore_mem>>) src(%dma_wait3A_659 : memref<128xf32, #tpu.memory_space<vmem>>) dst(%dma_wait3A_664 : memref<1040xf32, #tpu.memory_space<vmem_shared>>)
    %dma_wait3A_665 = arith.constant 9 : i32
    %dma_wait3A_666 = arith.constant 1152 : i32
    %dma_wait3A_667 = tpu.memref_slice %arg11[%dma_wait3A_666] : memref<3200xf32, #tpu.memory_space<vmem>> -> memref<128xf32, #tpu.memory_space<vmem>>
    %dma_wait3A_668 = arith.constant 0 : i32
    %dma_wait3A_669 = tpu.memref_slice %arg9[%dma_wait3A_665, %dma_wait3A_668] : memref<25x128xi32, #tpu.memory_space<vmem>> -> memref<1x128xi32, #tpu.memory_space<vmem>>
    %dma_wait3A_670 = tpu.memref_squeeze %dma_wait3A_669 : memref<1x128xi32, #tpu.memory_space<vmem>> -> memref<128xi32, #tpu.memory_space<vmem>>
    %dma_wait3A_671 = arith.constant 0 : i32
    %dma_wait3A_672 = tpu.memref_slice %arg15[%dma_wait3A_671] : memref<1040xf32, #tpu.memory_space<vmem_shared>> -> memref<1040xf32, #tpu.memory_space<vmem_shared>>
    tpu.wait_indirect_dma semaphore(%arg17 : memref<!tpu.dma_semaphore, #tpu.memory_space<semaphore_mem>>) src(%dma_wait3A_667 : memref<128xf32, #tpu.memory_space<vmem>>) dst(%dma_wait3A_672 : memref<1040xf32, #tpu.memory_space<vmem_shared>>)
    %dma_wait3A_673 = arith.constant 10 : i32
    %dma_wait3A_674 = arith.constant 1280 : i32
    %dma_wait3A_675 = tpu.memref_slice %arg10[%dma_wait3A_674] : memref<3200xf32, #tpu.memory_space<vmem>> -> memref<128xf32, #tpu.memory_space<vmem>>
    %dma_wait3A_676 = arith.constant 0 : i32
    %dma_wait3A_677 = tpu.memref_slice %arg9[%dma_wait3A_673, %dma_wait3A_676] : memref<25x128xi32, #tpu.memory_space<vmem>> -> memref<1x128xi32, #tpu.memory_space<vmem>>
    %dma_wait3A_678 = tpu.memref_squeeze %dma_wait3A_677 : memref<1x128xi32, #tpu.memory_space<vmem>> -> memref<128xi32, #tpu.memory_space<vmem>>
    %dma_wait3A_679 = arith.constant 0 : i32
    %dma_wait3A_680 = tpu.memref_slice %arg14[%dma_wait3A_679] : memref<1040xf32, #tpu.memory_space<vmem_shared>> -> memref<1040xf32, #tpu.memory_space<vmem_shared>>
    tpu.wait_indirect_dma semaphore(%arg17 : memref<!tpu.dma_semaphore, #tpu.memory_space<semaphore_mem>>) src(%dma_wait3A_675 : memref<128xf32, #tpu.memory_space<vmem>>) dst(%dma_wait3A_680 : memref<1040xf32, #tpu.memory_space<vmem_shared>>)
    %dma_wait3A_681 = arith.constant 10 : i32
    %dma_wait3A_682 = arith.constant 1280 : i32
    %dma_wait3A_683 = tpu.memref_slice %arg11[%dma_wait3A_682] : memref<3200xf32, #tpu.memory_space<vmem>> -> memref<128xf32, #tpu.memory_space<vmem>>
    %dma_wait3A_684 = arith.constant 0 : i32
    %dma_wait3A_685 = tpu.memref_slice %arg9[%dma_wait3A_681, %dma_wait3A_684] : memref<25x128xi32, #tpu.memory_space<vmem>> -> memref<1x128xi32, #tpu.memory_space<vmem>>
    %dma_wait3A_686 = tpu.memref_squeeze %dma_wait3A_685 : memref<1x128xi32, #tpu.memory_space<vmem>> -> memref<128xi32, #tpu.memory_space<vmem>>
    %dma_wait3A_687 = arith.constant 0 : i32
    %dma_wait3A_688 = tpu.memref_slice %arg15[%dma_wait3A_687] : memref<1040xf32, #tpu.memory_space<vmem_shared>> -> memref<1040xf32, #tpu.memory_space<vmem_shared>>
    tpu.wait_indirect_dma semaphore(%arg17 : memref<!tpu.dma_semaphore, #tpu.memory_space<semaphore_mem>>) src(%dma_wait3A_683 : memref<128xf32, #tpu.memory_space<vmem>>) dst(%dma_wait3A_688 : memref<1040xf32, #tpu.memory_space<vmem_shared>>)
    %dma_wait3A_689 = arith.constant 11 : i32
    %dma_wait3A_690 = arith.constant 1408 : i32
    %dma_wait3A_691 = tpu.memref_slice %arg10[%dma_wait3A_690] : memref<3200xf32, #tpu.memory_space<vmem>> -> memref<128xf32, #tpu.memory_space<vmem>>
    %dma_wait3A_692 = arith.constant 0 : i32
    %dma_wait3A_693 = tpu.memref_slice %arg9[%dma_wait3A_689, %dma_wait3A_692] : memref<25x128xi32, #tpu.memory_space<vmem>> -> memref<1x128xi32, #tpu.memory_space<vmem>>
    %dma_wait3A_694 = tpu.memref_squeeze %dma_wait3A_693 : memref<1x128xi32, #tpu.memory_space<vmem>> -> memref<128xi32, #tpu.memory_space<vmem>>
    %dma_wait3A_695 = arith.constant 0 : i32
    %dma_wait3A_696 = tpu.memref_slice %arg14[%dma_wait3A_695] : memref<1040xf32, #tpu.memory_space<vmem_shared>> -> memref<1040xf32, #tpu.memory_space<vmem_shared>>
    tpu.wait_indirect_dma semaphore(%arg17 : memref<!tpu.dma_semaphore, #tpu.memory_space<semaphore_mem>>) src(%dma_wait3A_691 : memref<128xf32, #tpu.memory_space<vmem>>) dst(%dma_wait3A_696 : memref<1040xf32, #tpu.memory_space<vmem_shared>>)
    %dma_wait3A_697 = arith.constant 11 : i32
    %dma_wait3A_698 = arith.constant 1408 : i32
    %dma_wait3A_699 = tpu.memref_slice %arg11[%dma_wait3A_698] : memref<3200xf32, #tpu.memory_space<vmem>> -> memref<128xf32, #tpu.memory_space<vmem>>
    %dma_wait3A_700 = arith.constant 0 : i32
    %dma_wait3A_701 = tpu.memref_slice %arg9[%dma_wait3A_697, %dma_wait3A_700] : memref<25x128xi32, #tpu.memory_space<vmem>> -> memref<1x128xi32, #tpu.memory_space<vmem>>
    %dma_wait3A_702 = tpu.memref_squeeze %dma_wait3A_701 : memref<1x128xi32, #tpu.memory_space<vmem>> -> memref<128xi32, #tpu.memory_space<vmem>>
    %dma_wait3A_703 = arith.constant 0 : i32
    %dma_wait3A_704 = tpu.memref_slice %arg15[%dma_wait3A_703] : memref<1040xf32, #tpu.memory_space<vmem_shared>> -> memref<1040xf32, #tpu.memory_space<vmem_shared>>
    tpu.wait_indirect_dma semaphore(%arg17 : memref<!tpu.dma_semaphore, #tpu.memory_space<semaphore_mem>>) src(%dma_wait3A_699 : memref<128xf32, #tpu.memory_space<vmem>>) dst(%dma_wait3A_704 : memref<1040xf32, #tpu.memory_space<vmem_shared>>)
    %dma_wait3A_705 = arith.constant 12 : i32
    %dma_wait3A_706 = arith.constant 1536 : i32
    %dma_wait3A_707 = tpu.memref_slice %arg10[%dma_wait3A_706] : memref<3200xf32, #tpu.memory_space<vmem>> -> memref<128xf32, #tpu.memory_space<vmem>>
    %dma_wait3A_708 = arith.constant 0 : i32
    %dma_wait3A_709 = tpu.memref_slice %arg9[%dma_wait3A_705, %dma_wait3A_708] : memref<25x128xi32, #tpu.memory_space<vmem>> -> memref<1x128xi32, #tpu.memory_space<vmem>>
    %dma_wait3A_710 = tpu.memref_squeeze %dma_wait3A_709 : memref<1x128xi32, #tpu.memory_space<vmem>> -> memref<128xi32, #tpu.memory_space<vmem>>
    %dma_wait3A_711 = arith.constant 0 : i32
    %dma_wait3A_712 = tpu.memref_slice %arg14[%dma_wait3A_711] : memref<1040xf32, #tpu.memory_space<vmem_shared>> -> memref<1040xf32, #tpu.memory_space<vmem_shared>>
    tpu.wait_indirect_dma semaphore(%arg17 : memref<!tpu.dma_semaphore, #tpu.memory_space<semaphore_mem>>) src(%dma_wait3A_707 : memref<128xf32, #tpu.memory_space<vmem>>) dst(%dma_wait3A_712 : memref<1040xf32, #tpu.memory_space<vmem_shared>>)
    %dma_wait3A_713 = arith.constant 12 : i32
    %dma_wait3A_714 = arith.constant 1536 : i32
    %dma_wait3A_715 = tpu.memref_slice %arg11[%dma_wait3A_714] : memref<3200xf32, #tpu.memory_space<vmem>> -> memref<128xf32, #tpu.memory_space<vmem>>
    %dma_wait3A_716 = arith.constant 0 : i32
    %dma_wait3A_717 = tpu.memref_slice %arg9[%dma_wait3A_713, %dma_wait3A_716] : memref<25x128xi32, #tpu.memory_space<vmem>> -> memref<1x128xi32, #tpu.memory_space<vmem>>
    %dma_wait3A_718 = tpu.memref_squeeze %dma_wait3A_717 : memref<1x128xi32, #tpu.memory_space<vmem>> -> memref<128xi32, #tpu.memory_space<vmem>>
    %dma_wait3A_719 = arith.constant 0 : i32
    %dma_wait3A_720 = tpu.memref_slice %arg15[%dma_wait3A_719] : memref<1040xf32, #tpu.memory_space<vmem_shared>> -> memref<1040xf32, #tpu.memory_space<vmem_shared>>
    tpu.wait_indirect_dma semaphore(%arg17 : memref<!tpu.dma_semaphore, #tpu.memory_space<semaphore_mem>>) src(%dma_wait3A_715 : memref<128xf32, #tpu.memory_space<vmem>>) dst(%dma_wait3A_720 : memref<1040xf32, #tpu.memory_space<vmem_shared>>)
    %dma_wait3A_721 = arith.constant 13 : i32
    %dma_wait3A_722 = arith.constant 1664 : i32
    %dma_wait3A_723 = tpu.memref_slice %arg10[%dma_wait3A_722] : memref<3200xf32, #tpu.memory_space<vmem>> -> memref<128xf32, #tpu.memory_space<vmem>>
    %dma_wait3A_724 = arith.constant 0 : i32
    %dma_wait3A_725 = tpu.memref_slice %arg9[%dma_wait3A_721, %dma_wait3A_724] : memref<25x128xi32, #tpu.memory_space<vmem>> -> memref<1x128xi32, #tpu.memory_space<vmem>>
    %dma_wait3A_726 = tpu.memref_squeeze %dma_wait3A_725 : memref<1x128xi32, #tpu.memory_space<vmem>> -> memref<128xi32, #tpu.memory_space<vmem>>
    %dma_wait3A_727 = arith.constant 0 : i32
    %dma_wait3A_728 = tpu.memref_slice %arg14[%dma_wait3A_727] : memref<1040xf32, #tpu.memory_space<vmem_shared>> -> memref<1040xf32, #tpu.memory_space<vmem_shared>>
    tpu.wait_indirect_dma semaphore(%arg17 : memref<!tpu.dma_semaphore, #tpu.memory_space<semaphore_mem>>) src(%dma_wait3A_723 : memref<128xf32, #tpu.memory_space<vmem>>) dst(%dma_wait3A_728 : memref<1040xf32, #tpu.memory_space<vmem_shared>>)
    %dma_wait3A_729 = arith.constant 13 : i32
    %dma_wait3A_730 = arith.constant 1664 : i32
    %dma_wait3A_731 = tpu.memref_slice %arg11[%dma_wait3A_730] : memref<3200xf32, #tpu.memory_space<vmem>> -> memref<128xf32, #tpu.memory_space<vmem>>
    %dma_wait3A_732 = arith.constant 0 : i32
    %dma_wait3A_733 = tpu.memref_slice %arg9[%dma_wait3A_729, %dma_wait3A_732] : memref<25x128xi32, #tpu.memory_space<vmem>> -> memref<1x128xi32, #tpu.memory_space<vmem>>
    %dma_wait3A_734 = tpu.memref_squeeze %dma_wait3A_733 : memref<1x128xi32, #tpu.memory_space<vmem>> -> memref<128xi32, #tpu.memory_space<vmem>>
    %dma_wait3A_735 = arith.constant 0 : i32
    %dma_wait3A_736 = tpu.memref_slice %arg15[%dma_wait3A_735] : memref<1040xf32, #tpu.memory_space<vmem_shared>> -> memref<1040xf32, #tpu.memory_space<vmem_shared>>
    tpu.wait_indirect_dma semaphore(%arg17 : memref<!tpu.dma_semaphore, #tpu.memory_space<semaphore_mem>>) src(%dma_wait3A_731 : memref<128xf32, #tpu.memory_space<vmem>>) dst(%dma_wait3A_736 : memref<1040xf32, #tpu.memory_space<vmem_shared>>)
    %dma_wait3A_737 = arith.constant 14 : i32
    %dma_wait3A_738 = arith.constant 1792 : i32
    %dma_wait3A_739 = tpu.memref_slice %arg10[%dma_wait3A_738] : memref<3200xf32, #tpu.memory_space<vmem>> -> memref<128xf32, #tpu.memory_space<vmem>>
    %dma_wait3A_740 = arith.constant 0 : i32
    %dma_wait3A_741 = tpu.memref_slice %arg9[%dma_wait3A_737, %dma_wait3A_740] : memref<25x128xi32, #tpu.memory_space<vmem>> -> memref<1x128xi32, #tpu.memory_space<vmem>>
    %dma_wait3A_742 = tpu.memref_squeeze %dma_wait3A_741 : memref<1x128xi32, #tpu.memory_space<vmem>> -> memref<128xi32, #tpu.memory_space<vmem>>
    %dma_wait3A_743 = arith.constant 0 : i32
    %dma_wait3A_744 = tpu.memref_slice %arg14[%dma_wait3A_743] : memref<1040xf32, #tpu.memory_space<vmem_shared>> -> memref<1040xf32, #tpu.memory_space<vmem_shared>>
    tpu.wait_indirect_dma semaphore(%arg17 : memref<!tpu.dma_semaphore, #tpu.memory_space<semaphore_mem>>) src(%dma_wait3A_739 : memref<128xf32, #tpu.memory_space<vmem>>) dst(%dma_wait3A_744 : memref<1040xf32, #tpu.memory_space<vmem_shared>>)
    %dma_wait3A_745 = arith.constant 14 : i32
    %dma_wait3A_746 = arith.constant 1792 : i32
    %dma_wait3A_747 = tpu.memref_slice %arg11[%dma_wait3A_746] : memref<3200xf32, #tpu.memory_space<vmem>> -> memref<128xf32, #tpu.memory_space<vmem>>
    %dma_wait3A_748 = arith.constant 0 : i32
    %dma_wait3A_749 = tpu.memref_slice %arg9[%dma_wait3A_745, %dma_wait3A_748] : memref<25x128xi32, #tpu.memory_space<vmem>> -> memref<1x128xi32, #tpu.memory_space<vmem>>
    %dma_wait3A_750 = tpu.memref_squeeze %dma_wait3A_749 : memref<1x128xi32, #tpu.memory_space<vmem>> -> memref<128xi32, #tpu.memory_space<vmem>>
    %dma_wait3A_751 = arith.constant 0 : i32
    %dma_wait3A_752 = tpu.memref_slice %arg15[%dma_wait3A_751] : memref<1040xf32, #tpu.memory_space<vmem_shared>> -> memref<1040xf32, #tpu.memory_space<vmem_shared>>
    tpu.wait_indirect_dma semaphore(%arg17 : memref<!tpu.dma_semaphore, #tpu.memory_space<semaphore_mem>>) src(%dma_wait3A_747 : memref<128xf32, #tpu.memory_space<vmem>>) dst(%dma_wait3A_752 : memref<1040xf32, #tpu.memory_space<vmem_shared>>)
    %dma_wait3A_753 = arith.constant 15 : i32
    %dma_wait3A_754 = arith.constant 1920 : i32
    %dma_wait3A_755 = tpu.memref_slice %arg10[%dma_wait3A_754] : memref<3200xf32, #tpu.memory_space<vmem>> -> memref<128xf32, #tpu.memory_space<vmem>>
    %dma_wait3A_756 = arith.constant 0 : i32
    %dma_wait3A_757 = tpu.memref_slice %arg9[%dma_wait3A_753, %dma_wait3A_756] : memref<25x128xi32, #tpu.memory_space<vmem>> -> memref<1x128xi32, #tpu.memory_space<vmem>>
    %dma_wait3A_758 = tpu.memref_squeeze %dma_wait3A_757 : memref<1x128xi32, #tpu.memory_space<vmem>> -> memref<128xi32, #tpu.memory_space<vmem>>
    %dma_wait3A_759 = arith.constant 0 : i32
    %dma_wait3A_760 = tpu.memref_slice %arg14[%dma_wait3A_759] : memref<1040xf32, #tpu.memory_space<vmem_shared>> -> memref<1040xf32, #tpu.memory_space<vmem_shared>>
    tpu.wait_indirect_dma semaphore(%arg17 : memref<!tpu.dma_semaphore, #tpu.memory_space<semaphore_mem>>) src(%dma_wait3A_755 : memref<128xf32, #tpu.memory_space<vmem>>) dst(%dma_wait3A_760 : memref<1040xf32, #tpu.memory_space<vmem_shared>>)
    %dma_wait3A_761 = arith.constant 15 : i32
    %dma_wait3A_762 = arith.constant 1920 : i32
    %dma_wait3A_763 = tpu.memref_slice %arg11[%dma_wait3A_762] : memref<3200xf32, #tpu.memory_space<vmem>> -> memref<128xf32, #tpu.memory_space<vmem>>
    %dma_wait3A_764 = arith.constant 0 : i32
    %dma_wait3A_765 = tpu.memref_slice %arg9[%dma_wait3A_761, %dma_wait3A_764] : memref<25x128xi32, #tpu.memory_space<vmem>> -> memref<1x128xi32, #tpu.memory_space<vmem>>
    %dma_wait3A_766 = tpu.memref_squeeze %dma_wait3A_765 : memref<1x128xi32, #tpu.memory_space<vmem>> -> memref<128xi32, #tpu.memory_space<vmem>>
    %dma_wait3A_767 = arith.constant 0 : i32
    %dma_wait3A_768 = tpu.memref_slice %arg15[%dma_wait3A_767] : memref<1040xf32, #tpu.memory_space<vmem_shared>> -> memref<1040xf32, #tpu.memory_space<vmem_shared>>
    tpu.wait_indirect_dma semaphore(%arg17 : memref<!tpu.dma_semaphore, #tpu.memory_space<semaphore_mem>>) src(%dma_wait3A_763 : memref<128xf32, #tpu.memory_space<vmem>>) dst(%dma_wait3A_768 : memref<1040xf32, #tpu.memory_space<vmem_shared>>)
    %dma_wait3A_769 = arith.constant 16 : i32
    %dma_wait3A_770 = arith.constant 2048 : i32
    %dma_wait3A_771 = tpu.memref_slice %arg10[%dma_wait3A_770] : memref<3200xf32, #tpu.memory_space<vmem>> -> memref<128xf32, #tpu.memory_space<vmem>>
    %dma_wait3A_772 = arith.constant 0 : i32
    %dma_wait3A_773 = tpu.memref_slice %arg9[%dma_wait3A_769, %dma_wait3A_772] : memref<25x128xi32, #tpu.memory_space<vmem>> -> memref<1x128xi32, #tpu.memory_space<vmem>>
    %dma_wait3A_774 = tpu.memref_squeeze %dma_wait3A_773 : memref<1x128xi32, #tpu.memory_space<vmem>> -> memref<128xi32, #tpu.memory_space<vmem>>
    %dma_wait3A_775 = arith.constant 0 : i32
    %dma_wait3A_776 = tpu.memref_slice %arg14[%dma_wait3A_775] : memref<1040xf32, #tpu.memory_space<vmem_shared>> -> memref<1040xf32, #tpu.memory_space<vmem_shared>>
    tpu.wait_indirect_dma semaphore(%arg17 : memref<!tpu.dma_semaphore, #tpu.memory_space<semaphore_mem>>) src(%dma_wait3A_771 : memref<128xf32, #tpu.memory_space<vmem>>) dst(%dma_wait3A_776 : memref<1040xf32, #tpu.memory_space<vmem_shared>>)
    %dma_wait3A_777 = arith.constant 16 : i32
    %dma_wait3A_778 = arith.constant 2048 : i32
    %dma_wait3A_779 = tpu.memref_slice %arg11[%dma_wait3A_778] : memref<3200xf32, #tpu.memory_space<vmem>> -> memref<128xf32, #tpu.memory_space<vmem>>
    %dma_wait3A_780 = arith.constant 0 : i32
    %dma_wait3A_781 = tpu.memref_slice %arg9[%dma_wait3A_777, %dma_wait3A_780] : memref<25x128xi32, #tpu.memory_space<vmem>> -> memref<1x128xi32, #tpu.memory_space<vmem>>
    %dma_wait3A_782 = tpu.memref_squeeze %dma_wait3A_781 : memref<1x128xi32, #tpu.memory_space<vmem>> -> memref<128xi32, #tpu.memory_space<vmem>>
    %dma_wait3A_783 = arith.constant 0 : i32
    %dma_wait3A_784 = tpu.memref_slice %arg15[%dma_wait3A_783] : memref<1040xf32, #tpu.memory_space<vmem_shared>> -> memref<1040xf32, #tpu.memory_space<vmem_shared>>
    tpu.wait_indirect_dma semaphore(%arg17 : memref<!tpu.dma_semaphore, #tpu.memory_space<semaphore_mem>>) src(%dma_wait3A_779 : memref<128xf32, #tpu.memory_space<vmem>>) dst(%dma_wait3A_784 : memref<1040xf32, #tpu.memory_space<vmem_shared>>)
    %dma_wait3A_785 = arith.constant 17 : i32
    %dma_wait3A_786 = arith.constant 2176 : i32
    %dma_wait3A_787 = tpu.memref_slice %arg10[%dma_wait3A_786] : memref<3200xf32, #tpu.memory_space<vmem>> -> memref<128xf32, #tpu.memory_space<vmem>>
    %dma_wait3A_788 = arith.constant 0 : i32
    %dma_wait3A_789 = tpu.memref_slice %arg9[%dma_wait3A_785, %dma_wait3A_788] : memref<25x128xi32, #tpu.memory_space<vmem>> -> memref<1x128xi32, #tpu.memory_space<vmem>>
    %dma_wait3A_790 = tpu.memref_squeeze %dma_wait3A_789 : memref<1x128xi32, #tpu.memory_space<vmem>> -> memref<128xi32, #tpu.memory_space<vmem>>
    %dma_wait3A_791 = arith.constant 0 : i32
    %dma_wait3A_792 = tpu.memref_slice %arg14[%dma_wait3A_791] : memref<1040xf32, #tpu.memory_space<vmem_shared>> -> memref<1040xf32, #tpu.memory_space<vmem_shared>>
    tpu.wait_indirect_dma semaphore(%arg17 : memref<!tpu.dma_semaphore, #tpu.memory_space<semaphore_mem>>) src(%dma_wait3A_787 : memref<128xf32, #tpu.memory_space<vmem>>) dst(%dma_wait3A_792 : memref<1040xf32, #tpu.memory_space<vmem_shared>>)
    %dma_wait3A_793 = arith.constant 17 : i32
    %dma_wait3A_794 = arith.constant 2176 : i32
    %dma_wait3A_795 = tpu.memref_slice %arg11[%dma_wait3A_794] : memref<3200xf32, #tpu.memory_space<vmem>> -> memref<128xf32, #tpu.memory_space<vmem>>
    %dma_wait3A_796 = arith.constant 0 : i32
    %dma_wait3A_797 = tpu.memref_slice %arg9[%dma_wait3A_793, %dma_wait3A_796] : memref<25x128xi32, #tpu.memory_space<vmem>> -> memref<1x128xi32, #tpu.memory_space<vmem>>
    %dma_wait3A_798 = tpu.memref_squeeze %dma_wait3A_797 : memref<1x128xi32, #tpu.memory_space<vmem>> -> memref<128xi32, #tpu.memory_space<vmem>>
    %dma_wait3A_799 = arith.constant 0 : i32
    %dma_wait3A_800 = tpu.memref_slice %arg15[%dma_wait3A_799] : memref<1040xf32, #tpu.memory_space<vmem_shared>> -> memref<1040xf32, #tpu.memory_space<vmem_shared>>
    tpu.wait_indirect_dma semaphore(%arg17 : memref<!tpu.dma_semaphore, #tpu.memory_space<semaphore_mem>>) src(%dma_wait3A_795 : memref<128xf32, #tpu.memory_space<vmem>>) dst(%dma_wait3A_800 : memref<1040xf32, #tpu.memory_space<vmem_shared>>)
    %dma_wait3A_801 = arith.constant 18 : i32
    %dma_wait3A_802 = arith.constant 2304 : i32
    %dma_wait3A_803 = tpu.memref_slice %arg10[%dma_wait3A_802] : memref<3200xf32, #tpu.memory_space<vmem>> -> memref<128xf32, #tpu.memory_space<vmem>>
    %dma_wait3A_804 = arith.constant 0 : i32
    %dma_wait3A_805 = tpu.memref_slice %arg9[%dma_wait3A_801, %dma_wait3A_804] : memref<25x128xi32, #tpu.memory_space<vmem>> -> memref<1x128xi32, #tpu.memory_space<vmem>>
    %dma_wait3A_806 = tpu.memref_squeeze %dma_wait3A_805 : memref<1x128xi32, #tpu.memory_space<vmem>> -> memref<128xi32, #tpu.memory_space<vmem>>
    %dma_wait3A_807 = arith.constant 0 : i32
    %dma_wait3A_808 = tpu.memref_slice %arg14[%dma_wait3A_807] : memref<1040xf32, #tpu.memory_space<vmem_shared>> -> memref<1040xf32, #tpu.memory_space<vmem_shared>>
    tpu.wait_indirect_dma semaphore(%arg17 : memref<!tpu.dma_semaphore, #tpu.memory_space<semaphore_mem>>) src(%dma_wait3A_803 : memref<128xf32, #tpu.memory_space<vmem>>) dst(%dma_wait3A_808 : memref<1040xf32, #tpu.memory_space<vmem_shared>>)
    %dma_wait3A_809 = arith.constant 18 : i32
    %dma_wait3A_810 = arith.constant 2304 : i32
    %dma_wait3A_811 = tpu.memref_slice %arg11[%dma_wait3A_810] : memref<3200xf32, #tpu.memory_space<vmem>> -> memref<128xf32, #tpu.memory_space<vmem>>
    %dma_wait3A_812 = arith.constant 0 : i32
    %dma_wait3A_813 = tpu.memref_slice %arg9[%dma_wait3A_809, %dma_wait3A_812] : memref<25x128xi32, #tpu.memory_space<vmem>> -> memref<1x128xi32, #tpu.memory_space<vmem>>
    %dma_wait3A_814 = tpu.memref_squeeze %dma_wait3A_813 : memref<1x128xi32, #tpu.memory_space<vmem>> -> memref<128xi32, #tpu.memory_space<vmem>>
    %dma_wait3A_815 = arith.constant 0 : i32
    %dma_wait3A_816 = tpu.memref_slice %arg15[%dma_wait3A_815] : memref<1040xf32, #tpu.memory_space<vmem_shared>> -> memref<1040xf32, #tpu.memory_space<vmem_shared>>
    tpu.wait_indirect_dma semaphore(%arg17 : memref<!tpu.dma_semaphore, #tpu.memory_space<semaphore_mem>>) src(%dma_wait3A_811 : memref<128xf32, #tpu.memory_space<vmem>>) dst(%dma_wait3A_816 : memref<1040xf32, #tpu.memory_space<vmem_shared>>)
    %dma_wait3A_817 = arith.constant 19 : i32
    %dma_wait3A_818 = arith.constant 2432 : i32
    %dma_wait3A_819 = tpu.memref_slice %arg10[%dma_wait3A_818] : memref<3200xf32, #tpu.memory_space<vmem>> -> memref<128xf32, #tpu.memory_space<vmem>>
    %dma_wait3A_820 = arith.constant 0 : i32
    %dma_wait3A_821 = tpu.memref_slice %arg9[%dma_wait3A_817, %dma_wait3A_820] : memref<25x128xi32, #tpu.memory_space<vmem>> -> memref<1x128xi32, #tpu.memory_space<vmem>>
    %dma_wait3A_822 = tpu.memref_squeeze %dma_wait3A_821 : memref<1x128xi32, #tpu.memory_space<vmem>> -> memref<128xi32, #tpu.memory_space<vmem>>
    %dma_wait3A_823 = arith.constant 0 : i32
    %dma_wait3A_824 = tpu.memref_slice %arg14[%dma_wait3A_823] : memref<1040xf32, #tpu.memory_space<vmem_shared>> -> memref<1040xf32, #tpu.memory_space<vmem_shared>>
    tpu.wait_indirect_dma semaphore(%arg17 : memref<!tpu.dma_semaphore, #tpu.memory_space<semaphore_mem>>) src(%dma_wait3A_819 : memref<128xf32, #tpu.memory_space<vmem>>) dst(%dma_wait3A_824 : memref<1040xf32, #tpu.memory_space<vmem_shared>>)
    %dma_wait3A_825 = arith.constant 19 : i32
    %dma_wait3A_826 = arith.constant 2432 : i32
    %dma_wait3A_827 = tpu.memref_slice %arg11[%dma_wait3A_826] : memref<3200xf32, #tpu.memory_space<vmem>> -> memref<128xf32, #tpu.memory_space<vmem>>
    %dma_wait3A_828 = arith.constant 0 : i32
    %dma_wait3A_829 = tpu.memref_slice %arg9[%dma_wait3A_825, %dma_wait3A_828] : memref<25x128xi32, #tpu.memory_space<vmem>> -> memref<1x128xi32, #tpu.memory_space<vmem>>
    %dma_wait3A_830 = tpu.memref_squeeze %dma_wait3A_829 : memref<1x128xi32, #tpu.memory_space<vmem>> -> memref<128xi32, #tpu.memory_space<vmem>>
    %dma_wait3A_831 = arith.constant 0 : i32
    %dma_wait3A_832 = tpu.memref_slice %arg15[%dma_wait3A_831] : memref<1040xf32, #tpu.memory_space<vmem_shared>> -> memref<1040xf32, #tpu.memory_space<vmem_shared>>
    tpu.wait_indirect_dma semaphore(%arg17 : memref<!tpu.dma_semaphore, #tpu.memory_space<semaphore_mem>>) src(%dma_wait3A_827 : memref<128xf32, #tpu.memory_space<vmem>>) dst(%dma_wait3A_832 : memref<1040xf32, #tpu.memory_space<vmem_shared>>)
    %dma_wait3A_833 = arith.constant 20 : i32
    %dma_wait3A_834 = arith.constant 2560 : i32
    %dma_wait3A_835 = tpu.memref_slice %arg10[%dma_wait3A_834] : memref<3200xf32, #tpu.memory_space<vmem>> -> memref<128xf32, #tpu.memory_space<vmem>>
    %dma_wait3A_836 = arith.constant 0 : i32
    %dma_wait3A_837 = tpu.memref_slice %arg9[%dma_wait3A_833, %dma_wait3A_836] : memref<25x128xi32, #tpu.memory_space<vmem>> -> memref<1x128xi32, #tpu.memory_space<vmem>>
    %dma_wait3A_838 = tpu.memref_squeeze %dma_wait3A_837 : memref<1x128xi32, #tpu.memory_space<vmem>> -> memref<128xi32, #tpu.memory_space<vmem>>
    %dma_wait3A_839 = arith.constant 0 : i32
    %dma_wait3A_840 = tpu.memref_slice %arg14[%dma_wait3A_839] : memref<1040xf32, #tpu.memory_space<vmem_shared>> -> memref<1040xf32, #tpu.memory_space<vmem_shared>>
    tpu.wait_indirect_dma semaphore(%arg17 : memref<!tpu.dma_semaphore, #tpu.memory_space<semaphore_mem>>) src(%dma_wait3A_835 : memref<128xf32, #tpu.memory_space<vmem>>) dst(%dma_wait3A_840 : memref<1040xf32, #tpu.memory_space<vmem_shared>>)
    %dma_wait3A_841 = arith.constant 20 : i32
    %dma_wait3A_842 = arith.constant 2560 : i32
    %dma_wait3A_843 = tpu.memref_slice %arg11[%dma_wait3A_842] : memref<3200xf32, #tpu.memory_space<vmem>> -> memref<128xf32, #tpu.memory_space<vmem>>
    %dma_wait3A_844 = arith.constant 0 : i32
    %dma_wait3A_845 = tpu.memref_slice %arg9[%dma_wait3A_841, %dma_wait3A_844] : memref<25x128xi32, #tpu.memory_space<vmem>> -> memref<1x128xi32, #tpu.memory_space<vmem>>
    %dma_wait3A_846 = tpu.memref_squeeze %dma_wait3A_845 : memref<1x128xi32, #tpu.memory_space<vmem>> -> memref<128xi32, #tpu.memory_space<vmem>>
    %dma_wait3A_847 = arith.constant 0 : i32
    %dma_wait3A_848 = tpu.memref_slice %arg15[%dma_wait3A_847] : memref<1040xf32, #tpu.memory_space<vmem_shared>> -> memref<1040xf32, #tpu.memory_space<vmem_shared>>
    tpu.wait_indirect_dma semaphore(%arg17 : memref<!tpu.dma_semaphore, #tpu.memory_space<semaphore_mem>>) src(%dma_wait3A_843 : memref<128xf32, #tpu.memory_space<vmem>>) dst(%dma_wait3A_848 : memref<1040xf32, #tpu.memory_space<vmem_shared>>)
    %dma_wait3A_849 = arith.constant 21 : i32
    %dma_wait3A_850 = arith.constant 2688 : i32
    %dma_wait3A_851 = tpu.memref_slice %arg10[%dma_wait3A_850] : memref<3200xf32, #tpu.memory_space<vmem>> -> memref<128xf32, #tpu.memory_space<vmem>>
    %dma_wait3A_852 = arith.constant 0 : i32
    %dma_wait3A_853 = tpu.memref_slice %arg9[%dma_wait3A_849, %dma_wait3A_852] : memref<25x128xi32, #tpu.memory_space<vmem>> -> memref<1x128xi32, #tpu.memory_space<vmem>>
    %dma_wait3A_854 = tpu.memref_squeeze %dma_wait3A_853 : memref<1x128xi32, #tpu.memory_space<vmem>> -> memref<128xi32, #tpu.memory_space<vmem>>
    %dma_wait3A_855 = arith.constant 0 : i32
    %dma_wait3A_856 = tpu.memref_slice %arg14[%dma_wait3A_855] : memref<1040xf32, #tpu.memory_space<vmem_shared>> -> memref<1040xf32, #tpu.memory_space<vmem_shared>>
    tpu.wait_indirect_dma semaphore(%arg17 : memref<!tpu.dma_semaphore, #tpu.memory_space<semaphore_mem>>) src(%dma_wait3A_851 : memref<128xf32, #tpu.memory_space<vmem>>) dst(%dma_wait3A_856 : memref<1040xf32, #tpu.memory_space<vmem_shared>>)
    %dma_wait3A_857 = arith.constant 21 : i32
    %dma_wait3A_858 = arith.constant 2688 : i32
    %dma_wait3A_859 = tpu.memref_slice %arg11[%dma_wait3A_858] : memref<3200xf32, #tpu.memory_space<vmem>> -> memref<128xf32, #tpu.memory_space<vmem>>
    %dma_wait3A_860 = arith.constant 0 : i32
    %dma_wait3A_861 = tpu.memref_slice %arg9[%dma_wait3A_857, %dma_wait3A_860] : memref<25x128xi32, #tpu.memory_space<vmem>> -> memref<1x128xi32, #tpu.memory_space<vmem>>
    %dma_wait3A_862 = tpu.memref_squeeze %dma_wait3A_861 : memref<1x128xi32, #tpu.memory_space<vmem>> -> memref<128xi32, #tpu.memory_space<vmem>>
    %dma_wait3A_863 = arith.constant 0 : i32
    %dma_wait3A_864 = tpu.memref_slice %arg15[%dma_wait3A_863] : memref<1040xf32, #tpu.memory_space<vmem_shared>> -> memref<1040xf32, #tpu.memory_space<vmem_shared>>
    tpu.wait_indirect_dma semaphore(%arg17 : memref<!tpu.dma_semaphore, #tpu.memory_space<semaphore_mem>>) src(%dma_wait3A_859 : memref<128xf32, #tpu.memory_space<vmem>>) dst(%dma_wait3A_864 : memref<1040xf32, #tpu.memory_space<vmem_shared>>)
    %dma_wait3A_865 = arith.constant 22 : i32
    %dma_wait3A_866 = arith.constant 2816 : i32
    %dma_wait3A_867 = tpu.memref_slice %arg10[%dma_wait3A_866] : memref<3200xf32, #tpu.memory_space<vmem>> -> memref<128xf32, #tpu.memory_space<vmem>>
    %dma_wait3A_868 = arith.constant 0 : i32
    %dma_wait3A_869 = tpu.memref_slice %arg9[%dma_wait3A_865, %dma_wait3A_868] : memref<25x128xi32, #tpu.memory_space<vmem>> -> memref<1x128xi32, #tpu.memory_space<vmem>>
    %dma_wait3A_870 = tpu.memref_squeeze %dma_wait3A_869 : memref<1x128xi32, #tpu.memory_space<vmem>> -> memref<128xi32, #tpu.memory_space<vmem>>
    %dma_wait3A_871 = arith.constant 0 : i32
    %dma_wait3A_872 = tpu.memref_slice %arg14[%dma_wait3A_871] : memref<1040xf32, #tpu.memory_space<vmem_shared>> -> memref<1040xf32, #tpu.memory_space<vmem_shared>>
    tpu.wait_indirect_dma semaphore(%arg17 : memref<!tpu.dma_semaphore, #tpu.memory_space<semaphore_mem>>) src(%dma_wait3A_867 : memref<128xf32, #tpu.memory_space<vmem>>) dst(%dma_wait3A_872 : memref<1040xf32, #tpu.memory_space<vmem_shared>>)
    %dma_wait3A_873 = arith.constant 22 : i32
    %dma_wait3A_874 = arith.constant 2816 : i32
    %dma_wait3A_875 = tpu.memref_slice %arg11[%dma_wait3A_874] : memref<3200xf32, #tpu.memory_space<vmem>> -> memref<128xf32, #tpu.memory_space<vmem>>
    %dma_wait3A_876 = arith.constant 0 : i32
    %dma_wait3A_877 = tpu.memref_slice %arg9[%dma_wait3A_873, %dma_wait3A_876] : memref<25x128xi32, #tpu.memory_space<vmem>> -> memref<1x128xi32, #tpu.memory_space<vmem>>
    %dma_wait3A_878 = tpu.memref_squeeze %dma_wait3A_877 : memref<1x128xi32, #tpu.memory_space<vmem>> -> memref<128xi32, #tpu.memory_space<vmem>>
    %dma_wait3A_879 = arith.constant 0 : i32
    %dma_wait3A_880 = tpu.memref_slice %arg15[%dma_wait3A_879] : memref<1040xf32, #tpu.memory_space<vmem_shared>> -> memref<1040xf32, #tpu.memory_space<vmem_shared>>
    tpu.wait_indirect_dma semaphore(%arg17 : memref<!tpu.dma_semaphore, #tpu.memory_space<semaphore_mem>>) src(%dma_wait3A_875 : memref<128xf32, #tpu.memory_space<vmem>>) dst(%dma_wait3A_880 : memref<1040xf32, #tpu.memory_space<vmem_shared>>)
    %dma_wait3A_881 = arith.constant 23 : i32
    %dma_wait3A_882 = arith.constant 2944 : i32
    %dma_wait3A_883 = tpu.memref_slice %arg10[%dma_wait3A_882] : memref<3200xf32, #tpu.memory_space<vmem>> -> memref<128xf32, #tpu.memory_space<vmem>>
    %dma_wait3A_884 = arith.constant 0 : i32
    %dma_wait3A_885 = tpu.memref_slice %arg9[%dma_wait3A_881, %dma_wait3A_884] : memref<25x128xi32, #tpu.memory_space<vmem>> -> memref<1x128xi32, #tpu.memory_space<vmem>>
    %dma_wait3A_886 = tpu.memref_squeeze %dma_wait3A_885 : memref<1x128xi32, #tpu.memory_space<vmem>> -> memref<128xi32, #tpu.memory_space<vmem>>
    %dma_wait3A_887 = arith.constant 0 : i32
    %dma_wait3A_888 = tpu.memref_slice %arg14[%dma_wait3A_887] : memref<1040xf32, #tpu.memory_space<vmem_shared>> -> memref<1040xf32, #tpu.memory_space<vmem_shared>>
    tpu.wait_indirect_dma semaphore(%arg17 : memref<!tpu.dma_semaphore, #tpu.memory_space<semaphore_mem>>) src(%dma_wait3A_883 : memref<128xf32, #tpu.memory_space<vmem>>) dst(%dma_wait3A_888 : memref<1040xf32, #tpu.memory_space<vmem_shared>>)
    %dma_wait3A_889 = arith.constant 23 : i32
    %dma_wait3A_890 = arith.constant 2944 : i32
    %dma_wait3A_891 = tpu.memref_slice %arg11[%dma_wait3A_890] : memref<3200xf32, #tpu.memory_space<vmem>> -> memref<128xf32, #tpu.memory_space<vmem>>
    %dma_wait3A_892 = arith.constant 0 : i32
    %dma_wait3A_893 = tpu.memref_slice %arg9[%dma_wait3A_889, %dma_wait3A_892] : memref<25x128xi32, #tpu.memory_space<vmem>> -> memref<1x128xi32, #tpu.memory_space<vmem>>
    %dma_wait3A_894 = tpu.memref_squeeze %dma_wait3A_893 : memref<1x128xi32, #tpu.memory_space<vmem>> -> memref<128xi32, #tpu.memory_space<vmem>>
    %dma_wait3A_895 = arith.constant 0 : i32
    %dma_wait3A_896 = tpu.memref_slice %arg15[%dma_wait3A_895] : memref<1040xf32, #tpu.memory_space<vmem_shared>> -> memref<1040xf32, #tpu.memory_space<vmem_shared>>
    tpu.wait_indirect_dma semaphore(%arg17 : memref<!tpu.dma_semaphore, #tpu.memory_space<semaphore_mem>>) src(%dma_wait3A_891 : memref<128xf32, #tpu.memory_space<vmem>>) dst(%dma_wait3A_896 : memref<1040xf32, #tpu.memory_space<vmem_shared>>)
    %dma_wait3A_897 = arith.constant 24 : i32
    %dma_wait3A_898 = arith.constant 3072 : i32
    %dma_wait3A_899 = tpu.memref_slice %arg10[%dma_wait3A_898] : memref<3200xf32, #tpu.memory_space<vmem>> -> memref<128xf32, #tpu.memory_space<vmem>>
    %dma_wait3A_900 = arith.constant 0 : i32
    %dma_wait3A_901 = tpu.memref_slice %arg9[%dma_wait3A_897, %dma_wait3A_900] : memref<25x128xi32, #tpu.memory_space<vmem>> -> memref<1x128xi32, #tpu.memory_space<vmem>>
    %dma_wait3A_902 = tpu.memref_squeeze %dma_wait3A_901 : memref<1x128xi32, #tpu.memory_space<vmem>> -> memref<128xi32, #tpu.memory_space<vmem>>
    %dma_wait3A_903 = arith.constant 0 : i32
    %dma_wait3A_904 = tpu.memref_slice %arg14[%dma_wait3A_903] : memref<1040xf32, #tpu.memory_space<vmem_shared>> -> memref<1040xf32, #tpu.memory_space<vmem_shared>>
    tpu.wait_indirect_dma semaphore(%arg17 : memref<!tpu.dma_semaphore, #tpu.memory_space<semaphore_mem>>) src(%dma_wait3A_899 : memref<128xf32, #tpu.memory_space<vmem>>) dst(%dma_wait3A_904 : memref<1040xf32, #tpu.memory_space<vmem_shared>>)
    %dma_wait3A_905 = arith.constant 24 : i32
    %dma_wait3A_906 = arith.constant 3072 : i32
    %dma_wait3A_907 = tpu.memref_slice %arg11[%dma_wait3A_906] : memref<3200xf32, #tpu.memory_space<vmem>> -> memref<128xf32, #tpu.memory_space<vmem>>
    %dma_wait3A_908 = arith.constant 0 : i32
    %dma_wait3A_909 = tpu.memref_slice %arg9[%dma_wait3A_905, %dma_wait3A_908] : memref<25x128xi32, #tpu.memory_space<vmem>> -> memref<1x128xi32, #tpu.memory_space<vmem>>
    %dma_wait3A_910 = tpu.memref_squeeze %dma_wait3A_909 : memref<1x128xi32, #tpu.memory_space<vmem>> -> memref<128xi32, #tpu.memory_space<vmem>>
    %dma_wait3A_911 = arith.constant 0 : i32
    %dma_wait3A_912 = tpu.memref_slice %arg15[%dma_wait3A_911] : memref<1040xf32, #tpu.memory_space<vmem_shared>> -> memref<1040xf32, #tpu.memory_space<vmem_shared>>
    tpu.wait_indirect_dma semaphore(%arg17 : memref<!tpu.dma_semaphore, #tpu.memory_space<semaphore_mem>>) src(%dma_wait3A_907 : memref<128xf32, #tpu.memory_space<vmem>>) dst(%dma_wait3A_912 : memref<1040xf32, #tpu.memory_space<vmem_shared>>)
    %barrier3A_913 = arith.constant 0 : index
    tpu.barrier barrier_id(%barrier3A_913)
    %lt3A = arith.constant 8 : i32
    %lt3A_914 = arith.cmpi slt, %arg1, %lt3A : i32
    %convert_element_type3A_915 = arith.extui %lt3A_914 : i1 to i32
    %cond3A_916 = arith.constant 0 : i32
    %cond3A_917 = arith.cmpi ne, %convert_element_type3A_915, %cond3A_916 : i32
    scf.if %cond3A_917 {
      %mul3A_918 = arith.constant 128 : i32
      %mul3A_919 = arith.muli %arg1, %mul3A_918 : i32
      %multiple_of3A_920 = tpu.assume_multiple %mul3A_919, 8 : i32
      "tpu.region"() ({
        %run_scoped3A = tpu.sem_alloc : memref<!tpu.dma_semaphore, #tpu.memory_space<semaphore_mem>>
        %dma_start3A_921 = tpu.memref_slice %arg14[%multiple_of3A_920] : memref<1040xf32, #tpu.memory_space<vmem_shared>> -> memref<128xf32, #tpu.memory_space<vmem_shared>>
        %dma_start3A_922 = tpu.memref_slice %arg14[%multiple_of3A_920] : memref<1040xf32, #tpu.memory_space<vmem_shared>> -> memref<128xf32, #tpu.memory_space<vmem_shared>>
        tpu.enqueue_dma source(%dma_start3A_922 : memref<128xf32, #tpu.memory_space<vmem_shared>>) target(%arg13 : memref<128xf32, #tpu.memory_space<vmem>>) target_semaphore(%run_scoped3A : memref<!tpu.dma_semaphore, #tpu.memory_space<semaphore_mem>>)
        %dma_wait3A_923 = tpu.memref_slice %arg14[%multiple_of3A_920] : memref<1040xf32, #tpu.memory_space<vmem_shared>> -> memref<128xf32, #tpu.memory_space<vmem_shared>>
        %dma_wait3A_924 = tpu.memref_slice %arg14[%multiple_of3A_920] : memref<1040xf32, #tpu.memory_space<vmem_shared>> -> memref<128xf32, #tpu.memory_space<vmem_shared>>
        tpu.wait_dma2 semaphore(%run_scoped3A : memref<!tpu.dma_semaphore, #tpu.memory_space<semaphore_mem>>) src(%dma_wait3A_924 : memref<128xf32, #tpu.memory_space<vmem_shared>>) dst(%arg13 : memref<128xf32, #tpu.memory_space<vmem>>)
        tpu.yield
      }) : () -> ()
      "tpu.region"() ({
        %run_scoped3A = tpu.sem_alloc : memref<!tpu.dma_semaphore, #tpu.memory_space<semaphore_mem>>
        %dma_start3A_921 = arith.constant 0 : i32
        %dma_start3A_922 = tpu.memref_slice %arg5[%arg0, %arg1, %dma_start3A_921] : memref<2x8x128xf32, #tpu.memory_space<hbm>> -> memref<1x1x128xf32, #tpu.memory_space<hbm>>
        %dma_start3A_923 = tpu.memref_squeeze %dma_start3A_922 : memref<1x1x128xf32, #tpu.memory_space<hbm>> -> memref<128xf32, #tpu.memory_space<hbm>>
        %dma_start3A_924 = arith.constant 0 : i32
        %dma_start3A_925 = tpu.memref_slice %arg5[%arg0, %arg1, %dma_start3A_924] : memref<2x8x128xf32, #tpu.memory_space<hbm>> -> memref<1x1x128xf32, #tpu.memory_space<hbm>>
        %dma_start3A_926 = tpu.memref_squeeze %dma_start3A_925 : memref<1x1x128xf32, #tpu.memory_space<hbm>> -> memref<128xf32, #tpu.memory_space<hbm>>
        tpu.enqueue_dma source(%arg13 : memref<128xf32, #tpu.memory_space<vmem>>) target(%dma_start3A_926 : memref<128xf32, #tpu.memory_space<hbm>>) target_semaphore(%run_scoped3A : memref<!tpu.dma_semaphore, #tpu.memory_space<semaphore_mem>>)
        %dma_wait3A_927 = arith.constant 0 : i32
        %dma_wait3A_928 = tpu.memref_slice %arg5[%arg0, %arg1, %dma_wait3A_927] : memref<2x8x128xf32, #tpu.memory_space<hbm>> -> memref<1x1x128xf32, #tpu.memory_space<hbm>>
        %dma_wait3A_929 = tpu.memref_squeeze %dma_wait3A_928 : memref<1x1x128xf32, #tpu.memory_space<hbm>> -> memref<128xf32, #tpu.memory_space<hbm>>
        %dma_wait3A_930 = arith.constant 0 : i32
        %dma_wait3A_931 = tpu.memref_slice %arg5[%arg0, %arg1, %dma_wait3A_930] : memref<2x8x128xf32, #tpu.memory_space<hbm>> -> memref<1x1x128xf32, #tpu.memory_space<hbm>>
        %dma_wait3A_932 = tpu.memref_squeeze %dma_wait3A_931 : memref<1x1x128xf32, #tpu.memory_space<hbm>> -> memref<128xf32, #tpu.memory_space<hbm>>
        tpu.wait_dma2 semaphore(%run_scoped3A : memref<!tpu.dma_semaphore, #tpu.memory_space<semaphore_mem>>) src(%arg13 : memref<128xf32, #tpu.memory_space<vmem>>) dst(%dma_wait3A_932 : memref<128xf32, #tpu.memory_space<hbm>>)
        tpu.yield
      }) : () -> ()
      "tpu.region"() ({
        %run_scoped3A = tpu.sem_alloc : memref<!tpu.dma_semaphore, #tpu.memory_space<semaphore_mem>>
        %dma_start3A_921 = tpu.memref_slice %arg15[%multiple_of3A_920] : memref<1040xf32, #tpu.memory_space<vmem_shared>> -> memref<128xf32, #tpu.memory_space<vmem_shared>>
        %dma_start3A_922 = tpu.memref_slice %arg15[%multiple_of3A_920] : memref<1040xf32, #tpu.memory_space<vmem_shared>> -> memref<128xf32, #tpu.memory_space<vmem_shared>>
        tpu.enqueue_dma source(%dma_start3A_922 : memref<128xf32, #tpu.memory_space<vmem_shared>>) target(%arg13 : memref<128xf32, #tpu.memory_space<vmem>>) target_semaphore(%run_scoped3A : memref<!tpu.dma_semaphore, #tpu.memory_space<semaphore_mem>>)
        %dma_wait3A_923 = tpu.memref_slice %arg15[%multiple_of3A_920] : memref<1040xf32, #tpu.memory_space<vmem_shared>> -> memref<128xf32, #tpu.memory_space<vmem_shared>>
        %dma_wait3A_924 = tpu.memref_slice %arg15[%multiple_of3A_920] : memref<1040xf32, #tpu.memory_space<vmem_shared>> -> memref<128xf32, #tpu.memory_space<vmem_shared>>
        tpu.wait_dma2 semaphore(%run_scoped3A : memref<!tpu.dma_semaphore, #tpu.memory_space<semaphore_mem>>) src(%dma_wait3A_924 : memref<128xf32, #tpu.memory_space<vmem_shared>>) dst(%arg13 : memref<128xf32, #tpu.memory_space<vmem>>)
        tpu.yield
      }) : () -> ()
      "tpu.region"() ({
        %run_scoped3A = tpu.sem_alloc : memref<!tpu.dma_semaphore, #tpu.memory_space<semaphore_mem>>
        %dma_start3A_921 = arith.constant 0 : i32
        %dma_start3A_922 = tpu.memref_slice %arg6[%arg0, %arg1, %dma_start3A_921] : memref<2x8x128xf32, #tpu.memory_space<hbm>> -> memref<1x1x128xf32, #tpu.memory_space<hbm>>
        %dma_start3A_923 = tpu.memref_squeeze %dma_start3A_922 : memref<1x1x128xf32, #tpu.memory_space<hbm>> -> memref<128xf32, #tpu.memory_space<hbm>>
        %dma_start3A_924 = arith.constant 0 : i32
        %dma_start3A_925 = tpu.memref_slice %arg6[%arg0, %arg1, %dma_start3A_924] : memref<2x8x128xf32, #tpu.memory_space<hbm>> -> memref<1x1x128xf32, #tpu.memory_space<hbm>>
        %dma_start3A_926 = tpu.memref_squeeze %dma_start3A_925 : memref<1x1x128xf32, #tpu.memory_space<hbm>> -> memref<128xf32, #tpu.memory_space<hbm>>
        tpu.enqueue_dma source(%arg13 : memref<128xf32, #tpu.memory_space<vmem>>) target(%dma_start3A_926 : memref<128xf32, #tpu.memory_space<hbm>>) target_semaphore(%run_scoped3A : memref<!tpu.dma_semaphore, #tpu.memory_space<semaphore_mem>>)
        %dma_wait3A_927 = arith.constant 0 : i32
        %dma_wait3A_928 = tpu.memref_slice %arg6[%arg0, %arg1, %dma_wait3A_927] : memref<2x8x128xf32, #tpu.memory_space<hbm>> -> memref<1x1x128xf32, #tpu.memory_space<hbm>>
        %dma_wait3A_929 = tpu.memref_squeeze %dma_wait3A_928 : memref<1x1x128xf32, #tpu.memory_space<hbm>> -> memref<128xf32, #tpu.memory_space<hbm>>
        %dma_wait3A_930 = arith.constant 0 : i32
        %dma_wait3A_931 = tpu.memref_slice %arg6[%arg0, %arg1, %dma_wait3A_930] : memref<2x8x128xf32, #tpu.memory_space<hbm>> -> memref<1x1x128xf32, #tpu.memory_space<hbm>>
        %dma_wait3A_932 = tpu.memref_squeeze %dma_wait3A_931 : memref<1x1x128xf32, #tpu.memory_space<hbm>> -> memref<128xf32, #tpu.memory_space<hbm>>
        tpu.wait_dma2 semaphore(%run_scoped3A : memref<!tpu.dma_semaphore, #tpu.memory_space<semaphore_mem>>) src(%arg13 : memref<128xf32, #tpu.memory_space<vmem>>) dst(%dma_wait3A_932 : memref<128xf32, #tpu.memory_space<hbm>>)
        tpu.yield
      }) : () -> ()
    } else {
    }
    return
  }
}

module attributes {stable_mosaic.version = 14 : i64} {
  func.func @_stage2_body(%arg0: memref<2x8x128xf32, #tpu.memory_space<vmem>>, %arg1: memref<2x8x128xf32, #tpu.memory_space<vmem>>, %arg2: memref<8x128xf32, #tpu.memory_space<vmem>>, %arg3: memref<1x1xf32, #tpu.memory_space<vmem>>) attributes {dimension_semantics = [], scalar_prefetch = 0 : i64, scratch_operands = 0 : i64, tpu.core_type = #tpu.core_type<tc>} {
    %get3A = arith.constant 0 : index
    %get3A_0 = arith.constant 0 : index
    %get3A_1 = arith.constant 0 : index
    %get3A_2 = vector.load %arg0[%get3A, %get3A_0, %get3A_1] : memref<2x8x128xf32, #tpu.memory_space<vmem>>, vector<1x8x128xf32>
    %get3A_3 = vector.shape_cast %get3A_2 : vector<1x8x128xf32> to vector<8x128xf32>
    %get3A_4 = arith.constant 1 : index
    %get3A_5 = arith.constant 0 : index
    %get3A_6 = arith.constant 0 : index
    %get3A_7 = vector.load %arg0[%get3A_4, %get3A_5, %get3A_6] : memref<2x8x128xf32, #tpu.memory_space<vmem>>, vector<1x8x128xf32>
    %get3A_8 = vector.shape_cast %get3A_7 : vector<1x8x128xf32> to vector<8x128xf32>
    %add3A = arith.addf %get3A_3, %get3A_8 : vector<8x128xf32>
    %get3A_9 = arith.constant 0 : index
    %get3A_10 = arith.constant 0 : index
    %get3A_11 = arith.constant 0 : index
    %get3A_12 = vector.load %arg1[%get3A_9, %get3A_10, %get3A_11] : memref<2x8x128xf32, #tpu.memory_space<vmem>>, vector<1x8x128xf32>
    %get3A_13 = vector.shape_cast %get3A_12 : vector<1x8x128xf32> to vector<8x128xf32>
    %get3A_14 = arith.constant 1 : index
    %get3A_15 = arith.constant 0 : index
    %get3A_16 = arith.constant 0 : index
    %get3A_17 = vector.load %arg1[%get3A_14, %get3A_15, %get3A_16] : memref<2x8x128xf32, #tpu.memory_space<vmem>>, vector<1x8x128xf32>
    %get3A_18 = vector.shape_cast %get3A_17 : vector<1x8x128xf32> to vector<8x128xf32>
    %add3A_19 = arith.addf %get3A_13, %get3A_18 : vector<8x128xf32>
    %gt3A = arith.constant 0.000000e+00 : f32
    %gt3A_20 = vector.broadcast %gt3A : f32 to vector<8x128xf32>
    %gt3A_21 = arith.cmpf ogt, %add3A_19, %gt3A_20 : vector<8x128xf32>
    %max3A = arith.constant 1.000000e+00 : f32
    %max3A_22 = vector.broadcast %max3A : f32 to vector<8x128xf32>
    %max3A_23 = arith.maximumf %add3A_19, %max3A_22 : vector<8x128xf32>
    %mul3A = arith.constant 3.000000e+00 : f32
    %mul3A_24 = vector.broadcast %mul3A : f32 to vector<8x128xf32>
    %mul3A_25 = arith.mulf %mul3A_24, %max3A_23 : vector<8x128xf32>
    %div3A = arith.divf %add3A, %mul3A_25 : vector<8x128xf32>
    %jit3A = arith.constant 0.000000e+00 : f32
    %broadcast_in_dim3A = vector.broadcast %jit3A : f32 to vector<8x128xf32>
    %select_n3A = arith.select %gt3A_21, %div3A, %broadcast_in_dim3A : vector<8x128xi1>, vector<8x128xf32>
    %swap3A = arith.constant 0 : index
    %swap3A_26 = arith.constant 0 : index
    %swap3A_27 = vector.load %arg2[%swap3A, %swap3A_26] : memref<8x128xf32, #tpu.memory_space<vmem>>, vector<8x128xf32>
    tpu.vector_store %arg2[%swap3A, %swap3A_26], %select_n3A {strides = array<i32>} : memref<8x128xf32, #tpu.memory_space<vmem>>, vector<8x128xf32>,
    %reduce_sum3A = vector.shape_cast %add3A : vector<8x128xf32> to vector<1x8x128xf32>
    %reduce_sum3A_28 = arith.constant dense<0.000000e+00> : vector<1xf32>
    %reduce_sum3A_29 = vector.multi_reduction <add>, %reduce_sum3A, %reduce_sum3A_28 [1, 2] : vector<1x8x128xf32> to vector<1xf32>
    %reduce_sum3A_30 = vector.shape_cast %reduce_sum3A_29 : vector<1xf32> to vector<1x1x1xf32>
    %reduce_sum3A_31 = vector.extract %reduce_sum3A_30[0, 0, 0] : f32 from vector<1x1x1xf32>
    %broadcast_in_dim3A_32 = vector.broadcast %reduce_sum3A_31 : f32 to vector<1x1xf32>
    %mul3A_33 = arith.constant 3.33333332E-6 : f32
    %mul3A_34 = vector.broadcast %mul3A_33 : f32 to vector<1x1xf32>
    %mul3A_35 = arith.mulf %broadcast_in_dim3A_32, %mul3A_34 : vector<1x1xf32>
    %swap3A_36 = arith.constant 0 : index
    %swap3A_37 = arith.constant 0 : index
    %swap3A_38 = vector.load %arg3[%swap3A_36, %swap3A_37] : memref<1x1xf32, #tpu.memory_space<vmem>>, vector<1x1xf32>
    tpu.vector_store %arg3[%swap3A_36, %swap3A_37], %mul3A_35 {strides = array<i32>} : memref<1x1xf32, #tpu.memory_space<vmem>>, vector<1x1xf32>,
    return
  }
}

</mosaic_0001>

<sc_bundles>
// kernel: kernel.4.cloned.1.call-start
scs
__scs_entry_jumppad:
0x0: {  	(pc) =	sbr.rel $0x88, $3  }
0x1: {  	(tag) =	ssettag $0x0;
	lr =	simm.s32 $0x1  }
0x2: {  	[smem:$0x3F9E] =	sst lr;
	_ =	strace $0xD0000000  }
0x3: {  	_ = 	snop  }
0x4: {  	_ = 	snop  }
0x5: {  	_ = 	snop  }
0x6: {  	_ = 	snop  }
0x7: {  	_ = 	snop  }
__scs_overlays_trampoline_lowered:
0x8: {  	[smem:$0x3FAD] =	sst s0  }
0x9: {  	[smem:$0x3FAE] =	sst s1  }
0xa: {  	[smem:$0x3FAF] =	sst s2  }
0xb: {  	[smem:$0x3FB0] =	sst s3  }
0xc: {  	[smem:$0x3FB1] =	sst s4  }
0xd: {  	[smem:$0x3FB2] =	sst s5  }
0xe: {  	[smem:$0x3FB3] =	sst s6  }
0xf: {  	[smem:$0x3FB4] =	sst s7  }
0x10: {  	[smem:$0x3FB5] =	sst s8  }
0x11: {  	[smem:$0x3FB6] =	sst s9;
	s0 =	simm.s32 @!p0 $0x0  }
0x12: {  	s1 =	sld [smem:$0x3F9C];
	s0 =	simm.s32 @p0 $0x1  }
0x13: {  	[smem:$0x3FB7] =	sst s0;
	s0 =	simm.s32 @!p1 $0x0  }
0x14: {  	s2 =	sld [smem:$0x3F9B];
	s0 =	simm.s32 @p1 $0x1  }
0x15: {  	[smem:$0x3FB8] =	sst s0;
	s0 =	simm.s32 @!p2 $0x0  }
0x16: {  	s3 =	sld [smem:$0x3FDB];
	s0 =	simm.s32 @p2 $0x1  }
0x17: {  	s4 =	simm.s32 $0x1BF5;
	[smem:$0x3FBA] =	sst s0  }
0x18: {  	s0 =	sld [smem:$0x3F9D];
	_ =	swait.ge [sflag:s4], $0x0  }
0x19: {  	s7 =	sld [smem:$0x3F9E]  }
0x1a: {  	s8 =	sadd.s32 $0xFFFFE003, lr  }
0x1b: {  	s9 =	sadd.s32 $0xFFFFFEF7, lr;
	s5 =	simm.s32 $0xFFFFFFFF;
	p2 =	slt.u32 s8, $0xFFFFF086  }
0x1c: {  	p1 =	slt.u32 s9, $0xF7A;
	s5 =	simm.s32 @!p2 $0x0  }
0x1d: {  	s5 =	simm.s32 @p1 $0x1;
	p0 =	seq.s32 s7, s2  }
0x1e: {  	s7 =	smul.u32 @!p0 $0xF7A, s2;
	p2 =	seq.s32 @!p0 s5, $0x0  }
0x1f: {  	s9 =	smul.u32 $0xF7A, s1;
	s8 =	simm.s32 @!p0 $0x1BF5;
	p2 =	por !p2, p0  }
0x20: {  	[sflag:s8] =	ssyncset.s32 @!p0 $0xFFFFF086;
	s6 =	sadd.s32 @!p0 s3, s7;
	s7 =	simm.s32 @!p0 $0x108  }
0x21: {  	s3 =	sadd.s32 s3, s9;
	s6 =	sadd.s32 @!p0 $0x88, s6;
	s7 =	simm.s32 @p2 $0x1082  }
0x22: {  	[simem:s7], [sflag:s8] =	dma.local @!p0 [hbm:s6], $0xF7A  }
0x23: {  	s9 =	sor.u32 $0xD0000000, s2;
	s6 =	simm.s32 $0x108;
	_ =	swait.ge @!p0 [sflag:s8], $0x0  }
0x24: {  	s3 =	sadd.s32 $0x88, s3;
	s6 =	simm.s32 @!p1 $0x1082;
	[sflag:s4] =	ssyncset.s32 $0xFFFFF086  }
0x25: {  	[simem:s6], [sflag:s4] =	dma.local [hbm:s3], $0xF7A  }
0x26: {  	[smem:$0x3F9E] =	sst s1;
	(tag) =	ssettag s2;
	_ =	strace s9  }
0x27: {  	s1 =	sld [smem:$0x3FAE]  }
0x28: {  	s2 =	sld [smem:$0x3FAF]  }
0x29: {  	s4 =	sld [smem:$0x3FB1]  }
0x2a: {  	p0 =	seq.s32 s5, $0x0;
	s5 =	sld [smem:$0x3FB2]  }
0x2b: {  	s6 =	sld [smem:$0x3FB3]  }
0x2c: {  	s7 =	sld [smem:$0x3FB4]  }
0x2d: {  	s3 =	simm.s32 $0x108;
	s8 =	sld [smem:$0x3FB5]  }
0x2e: {  	s3 =	simm.s32 @!p0 $0x1082;
	s9 =	sld [smem:$0x3FB6]  }
0x2f: {  	lr =	sadd.s32 s0, s3;
	s0 =	sld [smem:$0x3FAD]  }
0x30: {  	s3 =	sld [smem:$0x3FB0]  }
0x31: {  	[smem:$0x3FB9] =	sst s10  }
0x32: {  	s10 =	sld [smem:$0x3FB7];
	_ =	sdelay $0x3  }
0x33: {  	p0 =	seq.s32 s10, $0x1;
	s10 =	sld [smem:$0x3FB9];
	_ =	sdelay $0x3  }
0x34: {  	[smem:$0x3FB9] =	sst s10  }
0x35: {  	s10 =	sld [smem:$0x3FB8];
	_ =	sdelay $0x3  }
0x36: {  	p1 =	seq.s32 s10, $0x1;
	s10 =	sld [smem:$0x3FB9];
	_ =	sdelay $0x3  }
0x37: {  	[smem:$0x3FB9] =	sst s10  }
0x38: {  	s10 =	sld [smem:$0x3FBA]  }
0x39: {  	_ = 	snop;
	(pc) =	sbr.ind lr, $3  }
0x3a: {  	_ = 	snop  }
0x3b: {  	_ = 	snop  }
0x3c: {  	p2 =	seq.s32 s10, $0x1;
	s10 =	sld [smem:$0x3FB9]  }
0x3d: {  	_ =	shalt  }
0x3e: {  	_ =	shalt  }
0x3f: {  	_ =	shalt  }
0x40: {  	_ =	shalt  }
0x41: {  	_ =	shalt  }
0x42: {  	_ =	shalt  }
0x43: {  	_ =	shalt  }
0x44: {  	_ =	shalt  }
0x45: {  	_ =	shalt  }
0x46: {  	_ =	shalt  }
0x47: {  	_ =	shalt  }
0x48: {  	_ =	shalt  }
0x49: {  	_ =	shalt  }
0x4a: {  	_ =	shalt  }
0x4b: {  	_ =	shalt  }
0x4c: {  	_ =	shalt  }
0x4d: {  	_ =	shalt  }
0x4e: {  	_ =	shalt  }
0x4f: {  	_ =	shalt  }
0x50: {  	_ =	shalt  }
0x51: {  	_ =	shalt  }
0x52: {  	_ =	shalt  }
0x53: {  	_ =	shalt  }
0x54: {  	_ =	shalt  }
0x55: {  	_ =	shalt  }
0x56: {  	_ =	shalt  }
0x57: {  	_ =	shalt  }
0x58: {  	_ =	shalt  }
0x59: {  	_ =	shalt  }
0x5a: {  	_ =	shalt  }
0x5b: {  	_ =	shalt  }
0x5c: {  	_ =	shalt  }
0x5d: {  	_ =	shalt  }
0x5e: {  	_ =	shalt  }
0x5f: {  	_ =	shalt  }
0x60: {  	_ =	shalt  }
0x61: {  	_ =	shalt  }
0x62: {  	_ =	shalt  }
0x63: {  	_ =	shalt  }
0x64: {  	_ =	shalt  }
0x65: {  	_ =	shalt  }
0x66: {  	_ =	shalt  }
0x67: {  	_ =	shalt  }
0x68: {  	_ =	shalt  }
0x69: {  	_ =	shalt  }
0x6a: {  	_ =	shalt  }
0x6b: {  	_ =	shalt  }
0x6c: {  	_ =	shalt  }
0x6d: {  	_ =	shalt  }
0x6e: {  	_ =	shalt  }
0x6f: {  	_ =	shalt  }
0x70: {  	_ =	shalt  }
0x71: {  	_ =	shalt  }
0x72: {  	_ =	shalt  }
0x73: {  	_ =	shalt  }
0x74: {  	_ =	shalt  }
0x75: {  	_ =	shalt  }
0x76: {  	_ =	shalt  }
0x77: {  	_ =	shalt  }
0x78: {  	_ =	shalt  }
0x79: {  	_ =	shalt  }
0x7a: {  	_ =	shalt  }
0x7b: {  	_ =	shalt  }
0x7c: {  	_ =	shalt  }
0x7d: {  	_ =	shalt  }
0x7e: {  	_ =	shalt  }
0x7f: {  	_ =	shalt  }
0x80: {  	_ =	shalt  }
0x81: {  	_ =	shalt  }
0x82: {  	_ =	shalt  }
0x83: {  	_ =	shalt  }
0x84: {  	_ =	shalt  }
0x85: {  	_ =	shalt  }
0x86: {  	_ =	shalt  }
0x87: {  	_ =	shalt  }
.Lfunc_end0:
.L_simem_size_0:
called_computation_lowered:
.L_overlay_start_0:
0x88: {  	s2 =	sld [smem:$0x3FD9]  }
0x89: {  	s3 =	sld [smem:$0x3FFE];
	_ =	sdelay $0x1  }
0x8a: {  	s1 =	srdreg.scid  }
0x8b: {  	s0 =	sand.u32 $0x1, s1  }
0x8c: {  	s16 =	sshll.u32 s0, $0xA;
	s2 =	sadd.s32 s3, s2  }
0x8d: {  	s2 =	sadd.s32 s2, s16  }
0x8e: {  	[smem:$0x3FC5] =	sst s2  }
0x8f: {  	_ = 	snop  }
0x90: {  	(tm) =	ssettm $0x1  }
0x91: {  	s17 =	sld [smem:$0x3FFB];
	_ =	sdelay $0x3  }
0x92: {  	_ =	strace s17  }
0x93: {  	s2 =	sld [smem:$0x3FFC];
	_ =	sdelay $0x3  }
0x94: {  	_ =	strace s2  }
0x95: {  	s2 =	sld [smem:$0x3FFD];
	_ =	sdelay $0x3  }
0x96: {  	_ =	strace s2  }
0x97: {  	_ =	strace $0x8FFFFFFF  }
0x98: {  	s18 =	sld [smem:$0x3FDB];
	_ =	sdelay $0x1  }
0x99: {  	s19 =	simm.s32 $_scs_section_size  }
0x9a: {  	s4 =	simm.s32 $_size__tile_overlayer_lowered;
	s5 =	simm.s32 $_tile_overlayer_lowered  }
0x9b: {  	s22 =	simm.s32 $0x1BFF;
	s21 =	sshll.u32 s5, $0x1;
	s2 =	sadd.s32 s19, s18  }
0x9c: {  	s6 =	simm.s32 $0x0;
	s20 =	sshll.u32 s4, $0x1;
	s4 =	sadd.s32 s21, s2  }
0x9d: {  	[timem:s6], [sflag:s22] =	dma.local [hbm:s4], s20  }
0x9e: {  	_ =	swait.ge [sflag:s22], s20  }
0x9f: {  	s3 =	ssub.s32 $0x0, s20;
	[sflag:s22] =	ssyncset.done $0x0  }
0xa0: {  	[sflag:s22] =	ssyncadd.s32 s3;
	_ =	sdelay $0x1  }
0xa1: {  	s23 =	simm.s32 $0x1B8B  }
0xa2: {  	_ =	swait.ge [sflag:s23], $0x1  }
0xa3: {  	[sflag:s23] =	ssyncset.done $0x0  }
0xa4: {  	s25 =	simm.s32 $0x1B8E;
	s24 =	sld [smem:$0x3FFE];
	[sflag:s23] =	ssyncadd.s32 $0xFFFFFFFF  }
0xa5: {  	s26 =	simm.s32 $execute0_lowered;
	[smem:$0x3FD2] =	sst s25  }
0xa6: {  	s4 =	sshll.u32 s26, $0x1;
	_ =	strace $0x80000046;
	[dreg:$0x1] =	wrdreg $0xFFFFFFFF  }
0xa7: {  	s28 =	simm.s32 $_size_execute0_lowered;
	s2 =	sadd.s32 s2, s4;
	[dreg:$0x0] =	wrdreg $0x0  }
0xa8: {  	s4 =	sshll.u32 s28, $0x1;
	[dreg:$0x2] =	wrdreg s2  }
0xa9: {  	[dreg:$0x3] =	wrdreg s4  }
0xaa: {  	[dreg:$0x4] =	wrdreg $0xC0  }
0xab: {  	_ =	task [dreg:s6], $0x5FFFF  }
0xac: {  	[dreg:$0x1] =	wrdreg $0xFFFFFFFF  }
0xad: {  	[dreg:$0x0] =	wrdreg $0x60  }
0xae: {  	[dreg:$0x2] =	wrdreg s24  }
0xaf: {  	[dreg:$0x3] =	wrdreg $0x79000  }
0xb0: {  	[dreg:$0x4] =	wrdreg $0x79480  }
0xb1: {  	[dreg:$0x5] =	wrdreg $0x9  }
0xb2: {  	_ =	task.clear_ibuf [dreg:s6], $0x6FFFF;
	_ =	strace $0x90000046  }
0xb3: {  	s29 =	simm.s32 $0x9;
	_ =	strace $0x80000048  }
0xb4: {  	_ =	swait.ge [sflag:s29], $0x1  }
0xb5: {  	[sflag:s29] =	ssyncadd.s32 $0xFFFFFFFF  }
0xb6: {  	_ =	strace $0x90000048  }
0xb7: {  	_ =	sfence  }
0xb8: {  	s30 =	sld [smem:$0x0];
	_ =	sdelay $0x2  }
0xb9: {  	s31 =	sshll.u32 s1, $0xD;
	s1 =	sshrl.u32 s1, $0x2  }
0xba: {  	s3 =	sand.u32 $0x4000, s31;
	s1 =	sadd.s32 s1, s30  }
0xbb: {  	s0 =	sor.u32 s3, s0;
	s1 =	sshll.u32 s1, $0x11  }
0xbc: {  	s0 =	sor.u32 s1, s0  }
0xbd: {  	s0 =	sadd.s32 $0x8F2B, s0  }
0xbe: {  	[sflag:s0] =	ssyncadd.remote.s32 $0x1  }
0xbf: {  	_ =	sfence.sel $0xFFFF  }
0xc0: {  	[dreg:$0x0] =	wrdreg $0xFFFFFFFF;
	(pc) =	sbr.abs _section_cstart, $3  }
0xc1: {  	[dreg:$0x1] =	wrdreg $0xFFFFFFFF  }
0xc2: {  	_ =	task.clear_ibuf [dreg:s6], $0x2FFFF;
	_ =	strace $0x9FFFFFFF  }
0xc3: {  	(tm) =	ssettm $0x7FFFFFFF  }
tec
execute0_lowered:
.L_overlay_start_1:
0x0: {  	(tag) =	ssettag $0x1  }
0x1: {  	s0 =	rddreg [dreg:$0x0]  }
0x2: {  	s1 =	rddreg [dreg:$0x1]  }
0x3: {  	s2 =	rddreg [dreg:$0x2]  }
0x4: {  	s3 =	srdreg.scid;
	s5 =	stileid.u32;
	s28 =	simm.s32 $0x4F80  }
0x5: {  	s31 =	simm.s32 $0x5080;
	s13 =	simm.s32 $0x5600;
	s14 =	simm.s32 $0x5680  }
0x6: {  	s15 =	simm.s32 $0x5700;
	s29 =	simm.s32 $0x2;
	s4 =	sand.u32 $0x1, s3  }
0x7: {  	s3 =	simm.s32 $0x0;
	s8 =	sadd.s32 $0x5200, s0;
	s9 =	sadd.s32 $0xE600, s0  }
0x8: {  	s10 =	sshll.u32 s5, $0x7;
	p1 =	sgt.u32 s5, $0x7;
	s6 =	sshll.u32 s4, $0x4  }
0x9: {  	[smem:$0x7FF] =	sst s3;
	s11 =	sshll.u32 s4, $0xA;
	s4 =	ssub.s32 $0x2, s4  }
0xa: {  	s24 =	sadd.s32 s10, s1;
	s26 =	sadd.s32 s10, s2;
	s6 =	sor.u32 s5, s6  }
0xb: {  	_ =	strace $0x80000047;
	s11 =	sadd.s32 s10, s11;
	[dreg:$0xb] =	wrdreg s24  }
0xc: {  	s17 =	sshrl.u32 s4, $0x1;
	[dreg:$0xd] =	wrdreg s26;
	s24 =	simm.s32 $0x1  }
0xd: {  	s10 =	simm.s32 $0x5480;
	s7 =	sshll.u32 s6, $0x9;
	s12 =	smul.u32 $0xC80, s6  }
0xe: {  	p0 =	seq.s32 s6, $0x1F;
	s16 =	sshrl.u32 s11, $0x3;
	s4 =	ssub.s32 s4, s17  }
0xf: {  	s11 =	simm.s32 $0x5500;
	s7 =	sadd.s32 s7, s0;
	s0 =	sadd.s32 s16, s0  }
0x10: {  	s30 =	smax.u32 s4, $0x1;
	s16 =	simm.s32 $0x4B00;
	s4 =	simm.s32 $0x5180  }
0x11: {  	s12 =	simm.s32 @p0 $0x17A20;
	s7 =	sadd.s32 $0x1200, s7;
	[dreg:$0xf] =	wrdreg s30  }
0x12: {  	s25 =	sadd.s32 $0x17A00, s0;
	s0 =	sadd.s32 $0x17C00, s0;
	[dreg:$0x4] =	wrdreg s7  }
0x13: {  	p0 =	sne.s32 s5, $0x0;
	s5 =	simm.s32 $0x5200;
	[dreg:$0xc] =	wrdreg s25  }
0x14: {  	s18 =	sshrl.u32 s12, $0x3;
	[dreg:$0xe] =	wrdreg s0;
	s25 =	simm.s32 $0x80  }
0x15: {  	s12 =	simm.s32 $0x5580;
	s0 =	simm.s32 $0x0;
	s19 =	sadd.s32 s8, s18  }
0x16: {  	s20 =	sadd.s32 $0x30D4, s18;
	s21 =	sadd.s32 s9, s18;
	[dreg:$0x5] =	wrdreg s19  }
0x17: {  	s6 =	sadd.s32 $0x61A8, s18;
	[dreg:$0x6] =	wrdreg s21;
	s22 =	sadd.s32 s8, s20  }
0x18: {  	s7 =	sadd.s32 s9, s20;
	s23 =	sadd.s32 s8, s6;
	[dreg:$0x7] =	wrdreg s22  }
0x19: {  	s6 =	sadd.s32 s9, s6;
	s20 =	simm.s32 $0x5000;
	[dreg:$0x8] =	wrdreg s7  }
0x1a: {  	s19 =	simm.s32 $0x5100;
	s8 =	simm.s32 $0x5380;
	[dreg:$0x9] =	wrdreg s23  }
0x1b: {  	s9 =	simm.s32 $0x5400;
	[dreg:$0xa] =	wrdreg s6;
	s23 =	simm.s32 $0x3  }
0x1c: {  	v0 =	vimm.f32 $1.000000000e+00;
	v1 =	vimm.f32 $0.0e+00;
	s22 =	simm.s32 $0x4F00;
	s6 =	simm.s32 $0x5280;
	s7 =	simm.s32 $0x5300  }
.LBB2_1:
0x1d: {  	s17 =	rddreg [dreg:$0x4]  }
0x1e: {  	[tilespmem:s16], [sflag:$0x1] =	stream.linear.gather [hbm4b:s17+s3], $0xC80, $0x38;
	[tilespmem:$0x7990] =	vst v63  }
0x1f: {  	s26 =	rddreg [dreg:$0x5]  }
0x20: {  	[tilespmem:s3], [sflag:$0x1] =	stream.linear.gather [hbm4b:s26+s3], $0xC80, $0x38;
	[tilespmem:$0x7990] =	vst v63  }
0x21: {  	s30 =	rddreg [dreg:$0x6];
	s18 =	simm.s32 $0x2580  }
0x22: {  	[tilespmem:s18], [sflag:$0x1] =	stream.linear.gather [hbm4b:s30+s3], $0xC80, $0x38;
	[tilespmem:$0x7990] =	vst v63  }
0x23: {  	s21 =	simm.s32 $0xC80;
	s18 =	rddreg [dreg:$0x7]  }
0x24: {  	[tilespmem:s21], [sflag:$0x1] =	stream.linear.gather [hbm4b:s18+s3], $0xC80, $0x38;
	[tilespmem:$0x7990] =	vst v63  }
0x25: {  	s26 =	rddreg [dreg:$0x8];
	s30 =	simm.s32 $0x3200  }
0x26: {  	[tilespmem:s30], [sflag:$0x1] =	stream.linear.gather [hbm4b:s26+s3], $0xC80, $0x38;
	[tilespmem:$0x7990] =	vst v63  }
0x27: {  	s18 =	rddreg [dreg:$0x9];
	s21 =	simm.s32 $0x1900  }
0x28: {  	[tilespmem:s21], [sflag:$0x1] =	stream.linear.gather [hbm4b:s18+s3], $0xC80, $0x38;
	[tilespmem:$0x7990] =	vst v63  }
0x29: {  	s17 =	simm.s32 $0x67C0;
	s26 =	rddreg [dreg:$0xa];
	s30 =	simm.s32 $0x3E80  }
0x2a: {  	[tilespmem:s30], [sflag:$0x1] =	stream.linear.gather [hbm4b:s26+s3], $0xC80, $0x38;
	[tilespmem:$0x7990] =	vst v63  }
0x2b: {  	[tilespmem:s17+$0xFFFFFFC0] =	vst v0  }
0x2c: {  	[tilespmem:s17+$0x30] =	vst v0  }
0x2d: {  	[tilespmem:s17+$0x20] =	vst v0  }
0x2e: {  	[tilespmem:s17+$0x10] =	vst v0  }
0x2f: {  	[tilespmem:s17+$0x0] =	vst v0  }
0x30: {  	[tilespmem:s17+$0xFFFFFFF0] =	vst v0  }
0x31: {  	s18 =	simm.s32 $0x0;
	[tilespmem:s17+$0xFFFFFFE0] =	vst v0  }
.LBB2_2:
0x32: {  	s18 =	sadd.s32 $0x80, s18;
	[tilespmem:s17+$0xFFFFFFD0] =	vst v0;
	s17 =	sadd.s32 $0x80, s17  }
0x33: {  	[tilespmem:s17+$0xFFFFFFC0] =	vst v0;
	p2 =	slt.u32 s18, $0xC00  }
0x34: {  	[tilespmem:s17+$0x30] =	vst v0  }
.Ltmp0:
0x35: {  	[tilespmem:s17+$0x20] =	vst v0;
	(pc) =	sbr.rel @p2 .LBB2_2-.Ltmp0, $4  }
0x36: {  	[tilespmem:s17+$0x10] =	vst v0  }
0x37: {  	[tilespmem:s17+$0x0] =	vst v0  }
0x38: {  	[tilespmem:s17+$0xFFFFFFF0] =	vst v0  }
0x39: {  	[tilespmem:s17+$0xFFFFFFE0] =	vst v0  }
.Ltmp1:
0x3a: {  	(pc) =	sbr.rel @p0 .LBB2_7-.Ltmp1, $2  }
0x3b: {  	_ =	sdelay $0x2  }
0x3c: {  	[tilespmem:s17+$0xFFFFFFD0] =	vst v0  }
0x3d: {  	s17 =	simm.s32 $0x7440  }
0x3e: {  	[tilespmem:s17+$0xFFFFFFC0] =	vst v1  }
0x3f: {  	[tilespmem:s17+$0x30] =	vst v1  }
0x40: {  	[tilespmem:s17+$0x20] =	vst v1  }
0x41: {  	[tilespmem:s17+$0x10] =	vst v1  }
0x42: {  	[tilespmem:s17+$0x0] =	vst v1  }
0x43: {  	[tilespmem:s17+$0xFFFFFFF0] =	vst v1  }
0x44: {  	s18 =	simm.s32 $0x0;
	[tilespmem:s17+$0xFFFFFFE0] =	vst v1  }
.LBB2_5:
0x45: {  	s18 =	sadd.s32 $0x80, s18;
	[tilespmem:s17+$0xFFFFFFD0] =	vst v1;
	s17 =	sadd.s32 $0x80, s17  }
0x46: {  	[tilespmem:s17+$0xFFFFFFC0] =	vst v1;
	p2 =	slt.u32 s18, $0x380  }
0x47: {  	[tilespmem:s17+$0x30] =	vst v1  }
.Ltmp2:
0x48: {  	[tilespmem:s17+$0x20] =	vst v1;
	(pc) =	sbr.rel @p2 .LBB2_5-.Ltmp2, $4  }
0x49: {  	[tilespmem:s17+$0x10] =	vst v1  }
0x4a: {  	[tilespmem:s17+$0x0] =	vst v1  }
0x4b: {  	[tilespmem:s17+$0xFFFFFFF0] =	vst v1  }
0x4c: {  	[tilespmem:s17+$0xFFFFFFE0] =	vst v1  }
0x4d: {  	[tilespmem:s17+$0xFFFFFFD0] =	vst v1  }
0x4e: {  	s30 =	simm.s32 $0x7400;
	[tilespmem:$0x7800] =	vst v1  }
0x4f: {  	[spmem:s1] =	stream.linear.scatter [tilespmem:s30], [sflag:$0x3], $0x480, $0x38;
	[tilespmem:$0x7990] =	vst v63  }
0x50: {  	_ =	swait.ge [sflag:s23], $0x480  }
0x51: {  	[sflag:s23] =	ssyncset.done $0x0  }
0x52: {  	[sflag:s23] =	ssyncadd.s32 $0xFFFFFB80  }
0x53: {  	[spmem:s2] =	stream.linear.scatter [tilespmem:s30], [sflag:$0x3], $0x480, $0x38;
	[tilespmem:$0x7990] =	vst v63  }
0x54: {  	_ =	swait.ge [sflag:s23], $0x480  }
0x55: {  	[sflag:s23] =	ssyncset.done $0x0  }
0x56: {  	[sflag:s23] =	ssyncadd.s32 $0xFFFFFB80  }
.LBB2_7:
0x57: {  	_ =	swait.ge [sflag:s24], $0xC80  }
0x58: {  	[sflag:s24] =	ssyncset.done $0x0  }
0x59: {  	[sflag:s24] =	ssyncadd.s32 $0xFFFFF380  }
0x5a: {  	_ =	swait.ge [sflag:s24], $0xC80  }
0x5b: {  	[sflag:s24] =	ssyncset.done $0x0  }
0x5c: {  	[sflag:s24] =	ssyncadd.s32 $0xFFFFF380  }
0x5d: {  	_ =	swait.ge [sflag:s24], $0xC80  }
0x5e: {  	[sflag:s24] =	ssyncset.done $0x0  }
0x5f: {  	[sflag:s24] =	ssyncadd.s32 $0xFFFFF380  }
0x60: {  	_ =	swait.ge [sflag:s24], $0xC80  }
0x61: {  	[sflag:s24] =	ssyncset.done $0x0  }
0x62: {  	[sflag:s24] =	ssyncadd.s32 $0xFFFFF380  }
0x63: {  	_ =	swait.ge [sflag:s24], $0xC80  }
0x64: {  	[sflag:s24] =	ssyncset.done $0x0  }
0x65: {  	[sflag:s24] =	ssyncadd.s32 $0xFFFFF380  }
0x66: {  	_ =	swait.ge [sflag:s24], $0xC80  }
0x67: {  	[sflag:s24] =	ssyncset.done $0x0  }
0x68: {  	[sflag:s24] =	ssyncadd.s32 $0xFFFFF380  }
0x69: {  	_ =	swait.ge [sflag:s24], $0xC80  }
0x6a: {  	[sflag:s24] =	ssyncset.done $0x0  }
0x6b: {  	s17 =	simm.s32 $0x0;
	[sflag:s24] =	ssyncadd.s32 $0xFFFFF380  }
0x6c: {  	s18 =	simm.s32 $0x2580;
	s21 =	simm.s32 $0x0;
	v2 =	vld [tilespmem:s17+$0x0]  }
0x6d: {  	s30 =	sand.u32 $0xFC0, s21;
	v3 =	vld [tilespmem:s18+$0x0]  }
0x6e: {  	v4 =	vld [tilespmem:s30+$0xC80]  }
0x6f: {  	v5 =	vld [tilespmem:s30+$0x3200]  }
0x70: {  	v6 =	vld [tilespmem:s30+$0x1900]  }
0x71: {  	v7 =	vld [tilespmem:s30+$0x3E80]  }
0x72: {  	v8 =	vld [tilespmem:s17+$0x10]  }
0x73: {  	v9 =	vld [tilespmem:s17+$0xC90]  }
0x74: {  	v10 =	vld [tilespmem:s18+$0x10]  }
0x75: {  	v11 =	vld [tilespmem:s18+$0xC90]  }
0x76: {  	v12 =	vld [tilespmem:s17+$0x20]  }
0x77: {  	v13 =	vld [tilespmem:s17+$0xCA0]  }
0x78: {  	v14 =	vld [tilespmem:s18+$0x20]  }
0x79: {  	v15 =	vld [tilespmem:s17+$0x30]  }
0x7a: {  	v16 =	vld [tilespmem:s17+$0xCB0];
	v2 =	vsub.f32 v2, v3;
	v3 =	vsub.f32 v4, v5  }
0x7b: {  	v17 =	vld [tilespmem:s18+$0xCB0]  }
0x7c: {  	v5 =	vld [tilespmem:s18+$0xCA0];
	v2 =	vand.u32 $0x7FFFFFFF, v2;
	v3 =	vand.u32 $0x7FFFFFFF, v3  }
0x7d: {  	v4 =	vsub.f32 v6, v7;
	v2 =	vadd.f32 v3, v2;
	v3 =	vld [tilespmem:s18+$0x30];
	_ =	sdelay $0x1  }
0x7e: {  	v7 =	vsub.f32 v9, v11;
	v6 =	vld [tilespmem:s18+$0x1910];
	v9 =	vsub.f32 v12, v14;
	v4 =	vand.u32 $0x7FFFFFFF, v4  }
0x7f: {  	v18 =	vadd.f32 v4, v2;
	v4 =	vld [tilespmem:s17+$0x1910];
	v2 =	vsub.f32 v8, v10  }
0x80: {  	v11 =	vsub.f32 v16, v17;
	v10 =	vsub.f32 v13, v5;
	v5 =	vld [tilespmem:s17+$0x1920]  }
0x81: {  	v7 =	vand.u32 $0x7FFFFFFF, v7;
	v8 =	vld [tilespmem:s18+$0x1920];
	v2 =	vand.u32 $0x7FFFFFFF, v2;
	v63 =	vsub.f32 v15, v3  }
0x82: {  	s30 =	simm.s32 $0x5B20;
	v2 =	vadd.f32 v7, v2;
	v3 =	vand.u32 $0x7FFFFFFF, v9;
	v9 =	vand.u32 $0x7FFFFFFF, v10;
	v7 =	vld [tilespmem:s17+$0x1930]  }
0x83: {  	[tilespmem:s30+$0xFFFFFFE0] =	vst v18;
	s17 =	simm.s32 $0x40;
	v3 =	vadd.f32 v9, v3;
	v9 =	vld [tilespmem:s18+$0x1930];
	v10 =	vand.u32 $0x7FFFFFFF, v63  }
.LBB2_8:
0x84: {  	s21 =	sadd.s32 $0x40, s21;
	v12 =	vld [tilespmem:s17+$0x0];
	v4 =	vsub.f32 v4, v6;
	v6 =	vand.u32 $0x7FFFFFFF, v11;
	s18 =	sadd.s32 $0x40, s18  }
0x85: {  	s26 =	sand.u32 $0xFC0, s21;
	v11 =	vld [tilespmem:s18+$0x0];
	p2 =	slt.u32 s21, $0xC40;
	v6 =	vadd.f32 v6, v10  }
0x86: {  	v10 =	vld [tilespmem:s26+$0xC80];
	v4 =	vand.u32 $0x7FFFFFFF, v4;
	v5 =	vsub.f32 v5, v8  }
0x87: {  	v8 =	vld [tilespmem:s26+$0x3200];
	v2 =	vadd.f32 v4, v2  }
0x88: {  	v4 =	vld [tilespmem:s26+$0x1900];
	v5 =	vand.u32 $0x7FFFFFFF, v5;
	v7 =	vsub.f32 v7, v9  }
0x89: {  	v9 =	vld [tilespmem:s26+$0x3E80];
	[tilespmem:s30+$0xFFFFFFF0] =	vst v2;
	v2 =	vadd.f32 v5, v3  }
0x8a: {  	v3 =	vld [tilespmem:s17+$0x10];
	v5 =	vand.u32 $0x7FFFFFFF, v7  }
0x8b: {  	v7 =	vld [tilespmem:s17+$0xC90];
	[tilespmem:s30+$0x0] =	vst v2;
	v2 =	vadd.f32 v5, v6  }
0x8c: {  	v5 =	vsub.f32 v12, v11;
	v6 =	vsub.f32 v10, v8;
	v8 =	vld [tilespmem:s18+$0x10]  }
0x8d: {  	v10 =	vld [tilespmem:s18+$0xC90];
	[tilespmem:s30+$0x10] =	vst v2  }
0x8e: {  	v2 =	vand.u32 $0x7FFFFFFF, v5;
	v5 =	vand.u32 $0x7FFFFFFF, v6;
	v4 =	vsub.f32 v4, v9;
	v6 =	vld [tilespmem:s17+$0x20]  }
0x8f: {  	v2 =	vadd.f32 v5, v2;
	v5 =	vld [tilespmem:s17+$0xCA0]  }
0x90: {  	v4 =	vand.u32 $0x7FFFFFFF, v4;
	v9 =	vld [tilespmem:s18+$0x20]  }
0x91: {  	v2 =	vadd.f32 v4, v2;
	v3 =	vsub.f32 v3, v8;
	v8 =	vld [tilespmem:s18+$0xCA0]  }
0x92: {  	s30 =	sadd.s32 $0x40, s30;
	v4 =	vsub.f32 v7, v10;
	v7 =	vld [tilespmem:s17+$0x30]  }
0x93: {  	[tilespmem:s30+$0xFFFFFFE0] =	vst v2;
	v2 =	vand.u32 $0x7FFFFFFF, v3;
	v10 =	vld [tilespmem:s17+$0xCB0]  }
0x94: {  	v3 =	vand.u32 $0x7FFFFFFF, v4;
	v11 =	vld [tilespmem:s18+$0x30]  }
0x95: {  	v2 =	vadd.f32 v3, v2;
	v3 =	vsub.f32 v6, v9;
	v9 =	vld [tilespmem:s18+$0xCB0]  }
0x96: {  	v4 =	vld [tilespmem:s17+$0x1910];
	v8 =	vsub.f32 v5, v8  }
.Ltmp3:
0x97: {  	v6 =	vld [tilespmem:s18+$0x1910];
	v3 =	vand.u32 $0x7FFFFFFF, v3;
	(pc) =	sbr.rel @p2 .LBB2_8-.Ltmp3, $4  }
0x98: {  	v5 =	vld [tilespmem:s17+$0x1920];
	v12 =	vand.u32 $0x7FFFFFFF, v8  }
0x99: {  	v8 =	vld [tilespmem:s18+$0x1920];
	v3 =	vadd.f32 v12, v3;
	v12 =	vsub.f32 v7, v11  }
0x9a: {  	v7 =	vld [tilespmem:s17+$0x1930];
	v11 =	vsub.f32 v10, v9  }
0x9b: {  	s17 =	sadd.s32 $0x40, s17;
	v9 =	vld [tilespmem:s18+$0x1930];
	v10 =	vand.u32 $0x7FFFFFFF, v12  }
0x9c: {  	_ =	sdelay $0x1  }
0x9d: {  	v4 =	vsub.f32 v4, v6  }
0x9e: {  	v5 =	vsub.f32 v5, v8  }
0x9f: {  	v61 =	vand.u32 $0x7FFFFFFF, v11;
	v4 =	vand.u32 $0x7FFFFFFF, v4;
	v7 =	vsub.f32 v7, v9  }
0xa0: {  	v6 =	vadd.f32 v61, v10;
	v2 =	vadd.f32 v4, v2;
	v62 =	vand.u32 $0x7FFFFFFF, v5  }
0xa1: {  	v3 =	vadd.f32 v62, v3;
	v63 =	vand.u32 $0x7FFFFFFF, v7  }
0xa2: {  	[tilespmem:s30+$0xFFFFFFF0] =	vst v2;
	v2 =	vadd.f32 v63, v6  }
0xa3: {  	[tilespmem:s30+$0x0] =	vst v3  }
0xa4: {  	[tilespmem:s30+$0x10] =	vst v2  }
0xa5: {  	s17 =	simm.s32 $0x5B00;
	[bflag:$0x0] =	sbarrier.arrive $0xFFFF  }
0xa6: {  	[spmem:s1] =	stream.indirect.scatter.add.f32 [tilespmem:s17], [sflag:$0x2], $0x1, s16, s25, $0xb8;
	[tilespmem:$0x7990] =	vst v63  }
0xa7: {  	s21 =	simm.s32 $0x6780  }
0xa8: {  	[spmem:s2] =	stream.indirect.scatter.add.f32 [tilespmem:s21], [sflag:$0x2], $0x1, s16, s25, $0xb8;
	[tilespmem:$0x7990] =	vst v63  }
0xa9: {  	s26 =	simm.s32 $0x4B80;
	s18 =	simm.s32 $0x5B80  }
0xaa: {  	[spmem:s1] =	stream.indirect.scatter.add.f32 [tilespmem:s18], [sflag:$0x2], $0x1, s26, s25, $0xb8;
	[tilespmem:$0x7990] =	vst v63  }
0xab: {  	s30 =	simm.s32 $0x6800  }
0xac: {  	[spmem:s2] =	stream.indirect.scatter.add.f32 [tilespmem:s30], [sflag:$0x2], $0x1, s26, s25, $0xb8;
	[tilespmem:$0x7990] =	vst v63  }
0xad: {  	s21 =	simm.s32 $0x4C00;
	s26 =	simm.s32 $0x5C00  }
0xae: {  	[spmem:s1] =	stream.indirect.scatter.add.f32 [tilespmem:s26], [sflag:$0x2], $0x1, s21, s25, $0xb8;
	[tilespmem:$0x7990] =	vst v63  }
0xaf: {  	s30 =	simm.s32 $0x6880  }
0xb0: {  	[spmem:s2] =	stream.indirect.scatter.add.f32 [tilespmem:s30], [sflag:$0x2], $0x1, s21, s25, $0xb8;
	[tilespmem:$0x7990] =	vst v63  }
0xb1: {  	s26 =	simm.s32 $0x5C80;
	s21 =	simm.s32 $0x4C80  }
0xb2: {  	[spmem:s1] =	stream.indirect.scatter.add.f32 [tilespmem:s26], [sflag:$0x2], $0x1, s21, s25, $0xb8;
	[tilespmem:$0x7990] =	vst v63  }
0xb3: {  	s30 =	simm.s32 $0x6900  }
0xb4: {  	[spmem:s2] =	stream.indirect.scatter.add.f32 [tilespmem:s30], [sflag:$0x2], $0x1, s21, s25, $0xb8;
	[tilespmem:$0x7990] =	vst v63  }
0xb5: {  	s26 =	simm.s32 $0x5D00;
	s21 =	simm.s32 $0x4D00  }
0xb6: {  	[spmem:s1] =	stream.indirect.scatter.add.f32 [tilespmem:s26], [sflag:$0x2], $0x1, s21, s25, $0xb8;
	[tilespmem:$0x7990] =	vst v63  }
0xb7: {  	s30 =	simm.s32 $0x6980  }
0xb8: {  	[spmem:s2] =	stream.indirect.scatter.add.f32 [tilespmem:s30], [sflag:$0x2], $0x1, s21, s25, $0xb8;
	[tilespmem:$0x7990] =	vst v63  }
0xb9: {  	s26 =	simm.s32 $0x5D80;
	s21 =	simm.s32 $0x4D80  }
0xba: {  	[spmem:s1] =	stream.indirect.scatter.add.f32 [tilespmem:s26], [sflag:$0x2], $0x1, s21, s25, $0xb8;
	[tilespmem:$0x7990] =	vst v63  }
0xbb: {  	s30 =	simm.s32 $0x6A00  }
0xbc: {  	[spmem:s2] =	stream.indirect.scatter.add.f32 [tilespmem:s30], [sflag:$0x2], $0x1, s21, s25, $0xb8;
	[tilespmem:$0x7990] =	vst v63  }
0xbd: {  	s26 =	simm.s32 $0x5E00;
	s21 =	simm.s32 $0x4E00  }
0xbe: {  	[spmem:s1] =	stream.indirect.scatter.add.f32 [tilespmem:s26], [sflag:$0x2], $0x1, s21, s25, $0xb8;
	[tilespmem:$0x7990] =	vst v63  }
0xbf: {  	s30 =	simm.s32 $0x6A80  }
0xc0: {  	[spmem:s2] =	stream.indirect.scatter.add.f32 [tilespmem:s30], [sflag:$0x2], $0x1, s21, s25, $0xb8;
	[tilespmem:$0x7990] =	vst v63  }
0xc1: {  	s26 =	simm.s32 $0x5E80;
	s21 =	simm.s32 $0x4E80  }
0xc2: {  	[spmem:s1] =	stream.indirect.scatter.add.f32 [tilespmem:s26], [sflag:$0x2], $0x1, s21, s25, $0xb8;
	[tilespmem:$0x7990] =	vst v63  }
0xc3: {  	s30 =	simm.s32 $0x6B00  }
0xc4: {  	[spmem:s2] =	stream.indirect.scatter.add.f32 [tilespmem:s30], [sflag:$0x2], $0x1, s21, s25, $0xb8;
	[tilespmem:$0x7990] =	vst v63  }
0xc5: {  	s21 =	simm.s32 $0x5F00  }
0xc6: {  	[spmem:s1] =	stream.indirect.scatter.add.f32 [tilespmem:s21], [sflag:$0x2], $0x1, s22, s25, $0xb8;
	[tilespmem:$0x7990] =	vst v63  }
0xc7: {  	s26 =	simm.s32 $0x6B80  }
0xc8: {  	[spmem:s2] =	stream.indirect.scatter.add.f32 [tilespmem:s26], [sflag:$0x2], $0x1, s22, s25, $0xb8;
	[tilespmem:$0x7990] =	vst v63  }
0xc9: {  	s30 =	simm.s32 $0x5F80  }
0xca: {  	[spmem:s1] =	stream.indirect.scatter.add.f32 [tilespmem:s30], [sflag:$0x2], $0x1, s28, s25, $0xb8;
	[tilespmem:$0x7990] =	vst v63  }
0xcb: {  	s18 =	simm.s32 $0x6C00  }
0xcc: {  	[spmem:s2] =	stream.indirect.scatter.add.f32 [tilespmem:s18], [sflag:$0x2], $0x1, s28, s25, $0xb8;
	[tilespmem:$0x7990] =	vst v63  }
0xcd: {  	s21 =	simm.s32 $0x6000  }
0xce: {  	[spmem:s1] =	stream.indirect.scatter.add.f32 [tilespmem:s21], [sflag:$0x2], $0x1, s20, s25, $0xb8;
	[tilespmem:$0x7990] =	vst v63  }
0xcf: {  	s26 =	simm.s32 $0x6C80  }
0xd0: {  	[spmem:s2] =	stream.indirect.scatter.add.f32 [tilespmem:s26], [sflag:$0x2], $0x1, s20, s25, $0xb8;
	[tilespmem:$0x7990] =	vst v63  }
0xd1: {  	s30 =	simm.s32 $0x6080  }
0xd2: {  	[spmem:s1] =	stream.indirect.scatter.add.f32 [tilespmem:s30], [sflag:$0x2], $0x1, s31, s25, $0xb8;
	[tilespmem:$0x7990] =	vst v63  }
0xd3: {  	s18 =	simm.s32 $0x6D00  }
0xd4: {  	[spmem:s2] =	stream.indirect.scatter.add.f32 [tilespmem:s18], [sflag:$0x2], $0x1, s31, s25, $0xb8;
	[tilespmem:$0x7990] =	vst v63  }
0xd5: {  	s21 =	simm.s32 $0x6100  }
0xd6: {  	[spmem:s1] =	stream.indirect.scatter.add.f32 [tilespmem:s21], [sflag:$0x2], $0x1, s19, s25, $0xb8;
	[tilespmem:$0x7990] =	vst v63  }
0xd7: {  	s26 =	simm.s32 $0x6D80  }
0xd8: {  	[spmem:s2] =	stream.indirect.scatter.add.f32 [tilespmem:s26], [sflag:$0x2], $0x1, s19, s25, $0xb8;
	[tilespmem:$0x7990] =	vst v63  }
0xd9: {  	s30 =	simm.s32 $0x6180  }
0xda: {  	[spmem:s1] =	stream.indirect.scatter.add.f32 [tilespmem:s30], [sflag:$0x2], $0x1, s4, s25, $0xb8;
	[tilespmem:$0x7990] =	vst v63  }
0xdb: {  	s18 =	simm.s32 $0x6E00  }
0xdc: {  	[spmem:s2] =	stream.indirect.scatter.add.f32 [tilespmem:s18], [sflag:$0x2], $0x1, s4, s25, $0xb8;
	[tilespmem:$0x7990] =	vst v63  }
0xdd: {  	s21 =	simm.s32 $0x6200  }
0xde: {  	[spmem:s1] =	stream.indirect.scatter.add.f32 [tilespmem:s21], [sflag:$0x2], $0x1, s5, s25, $0xb8;
	[tilespmem:$0x7990] =	vst v63  }
0xdf: {  	s26 =	simm.s32 $0x6E80  }
0xe0: {  	[spmem:s2] =	stream.indirect.scatter.add.f32 [tilespmem:s26], [sflag:$0x2], $0x1, s5, s25, $0xb8;
	[tilespmem:$0x7990] =	vst v63  }
0xe1: {  	s30 =	simm.s32 $0x6280  }
0xe2: {  	[spmem:s1] =	stream.indirect.scatter.add.f32 [tilespmem:s30], [sflag:$0x2], $0x1, s6, s25, $0xb8;
	[tilespmem:$0x7990] =	vst v63  }
0xe3: {  	s18 =	simm.s32 $0x6F00  }
0xe4: {  	[spmem:s2] =	stream.indirect.scatter.add.f32 [tilespmem:s18], [sflag:$0x2], $0x1, s6, s25, $0xb8;
	[tilespmem:$0x7990] =	vst v63  }
0xe5: {  	s21 =	simm.s32 $0x6300  }
0xe6: {  	[spmem:s1] =	stream.indirect.scatter.add.f32 [tilespmem:s21], [sflag:$0x2], $0x1, s7, s25, $0xb8;
	[tilespmem:$0x7990] =	vst v63  }
0xe7: {  	s26 =	simm.s32 $0x6F80  }
0xe8: {  	[spmem:s2] =	stream.indirect.scatter.add.f32 [tilespmem:s26], [sflag:$0x2], $0x1, s7, s25, $0xb8;
	[tilespmem:$0x7990] =	vst v63  }
0xe9: {  	s30 =	simm.s32 $0x6380  }
0xea: {  	[spmem:s1] =	stream.indirect.scatter.add.f32 [tilespmem:s30], [sflag:$0x2], $0x1, s8, s25, $0xb8;
	[tilespmem:$0x7990] =	vst v63  }
0xeb: {  	s18 =	simm.s32 $0x7000  }
0xec: {  	[spmem:s2] =	stream.indirect.scatter.add.f32 [tilespmem:s18], [sflag:$0x2], $0x1, s8, s25, $0xb8;
	[tilespmem:$0x7990] =	vst v63  }
0xed: {  	s21 =	simm.s32 $0x6400  }
0xee: {  	[spmem:s1] =	stream.indirect.scatter.add.f32 [tilespmem:s21], [sflag:$0x2], $0x1, s9, s25, $0xb8;
	[tilespmem:$0x7990] =	vst v63  }
0xef: {  	s26 =	simm.s32 $0x7080  }
0xf0: {  	[spmem:s2] =	stream.indirect.scatter.add.f32 [tilespmem:s26], [sflag:$0x2], $0x1, s9, s25, $0xb8;
	[tilespmem:$0x7990] =	vst v63  }
0xf1: {  	s30 =	simm.s32 $0x6480  }
0xf2: {  	[spmem:s1] =	stream.indirect.scatter.add.f32 [tilespmem:s30], [sflag:$0x2], $0x1, s10, s25, $0xb8;
	[tilespmem:$0x7990] =	vst v63  }
0xf3: {  	s18 =	simm.s32 $0x7100  }
0xf4: {  	[spmem:s2] =	stream.indirect.scatter.add.f32 [tilespmem:s18], [sflag:$0x2], $0x1, s10, s25, $0xb8;
	[tilespmem:$0x7990] =	vst v63  }
0xf5: {  	s21 =	simm.s32 $0x6500  }
0xf6: {  	[spmem:s1] =	stream.indirect.scatter.add.f32 [tilespmem:s21], [sflag:$0x2], $0x1, s11, s25, $0xb8;
	[tilespmem:$0x7990] =	vst v63  }
0xf7: {  	s26 =	simm.s32 $0x7180  }
0xf8: {  	[spmem:s2] =	stream.indirect.scatter.add.f32 [tilespmem:s26], [sflag:$0x2], $0x1, s11, s25, $0xb8;
	[tilespmem:$0x7990] =	vst v63  }
0xf9: {  	s30 =	simm.s32 $0x6580  }
0xfa: {  	[spmem:s1] =	stream.indirect.scatter.add.f32 [tilespmem:s30], [sflag:$0x2], $0x1, s12, s25, $0xb8;
	[tilespmem:$0x7990] =	vst v63  }
0xfb: {  	s18 =	simm.s32 $0x7200  }
0xfc: {  	[spmem:s2] =	stream.indirect.scatter.add.f32 [tilespmem:s18], [sflag:$0x2], $0x1, s12, s25, $0xb8;
	[tilespmem:$0x7990] =	vst v63  }
0xfd: {  	s21 =	simm.s32 $0x6600  }
0xfe: {  	[spmem:s1] =	stream.indirect.scatter.add.f32 [tilespmem:s21], [sflag:$0x2], $0x1, s13, s25, $0xb8;
	[tilespmem:$0x7990] =	vst v63  }
0xff: {  	s26 =	simm.s32 $0x7280  }
0x100: {  	[spmem:s2] =	stream.indirect.scatter.add.f32 [tilespmem:s26], [sflag:$0x2], $0x1, s13, s25, $0xb8;
	[tilespmem:$0x7990] =	vst v63  }
0x101: {  	s30 =	simm.s32 $0x6680  }
0x102: {  	[spmem:s1] =	stream.indirect.scatter.add.f32 [tilespmem:s30], [sflag:$0x2], $0x1, s14, s25, $0xb8;
	[tilespmem:$0x7990] =	vst v63  }
0x103: {  	s18 =	simm.s32 $0x7300  }
0x104: {  	[spmem:s2] =	stream.indirect.scatter.add.f32 [tilespmem:s18], [sflag:$0x2], $0x1, s14, s25, $0xb8;
	[tilespmem:$0x7990] =	vst v63  }
0x105: {  	s21 =	simm.s32 $0x6700  }
0x106: {  	[spmem:s1] =	stream.indirect.scatter.add.f32 [tilespmem:s21], [sflag:$0x2], $0x1, s15, s25, $0xb8;
	[tilespmem:$0x7990] =	vst v63  }
0x107: {  	s26 =	simm.s32 $0x7380  }
0x108: {  	[spmem:s2] =	stream.indirect.scatter.add.f32 [tilespmem:s26], [sflag:$0x2], $0x1, s15, s25, $0xb8;
	[tilespmem:$0x7990] =	vst v63  }
0x109: {  	_ =	swait.ge [sflag:s29], $0x80  }
0x10a: {  	[sflag:s29] =	ssyncset.done $0x0  }
0x10b: {  	[sflag:s29] =	ssyncadd.s32 $0xFFFFFF80  }
0x10c: {  	_ =	swait.ge [sflag:s29], $0x80  }
0x10d: {  	[sflag:s29] =	ssyncset.done $0x0  }
0x10e: {  	[sflag:s29] =	ssyncadd.s32 $0xFFFFFF80  }
0x10f: {  	_ =	swait.ge [sflag:s29], $0x80  }
0x110: {  	[sflag:s29] =	ssyncset.done $0x0  }
0x111: {  	[sflag:s29] =	ssyncadd.s32 $0xFFFFFF80  }
0x112: {  	_ =	swait.ge [sflag:s29], $0x80  }
0x113: {  	[sflag:s29] =	ssyncset.done $0x0  }
0x114: {  	[sflag:s29] =	ssyncadd.s32 $0xFFFFFF80  }
0x115: {  	_ =	swait.ge [sflag:s29], $0x80  }
0x116: {  	[sflag:s29] =	ssyncset.done $0x0  }
0x117: {  	[sflag:s29] =	ssyncadd.s32 $0xFFFFFF80  }
0x118: {  	_ =	swait.ge [sflag:s29], $0x80  }
0x119: {  	[sflag:s29] =	ssyncset.done $0x0  }
0x11a: {  	[sflag:s29] =	ssyncadd.s32 $0xFFFFFF80  }
0x11b: {  	_ =	swait.ge [sflag:s29], $0x80  }
0x11c: {  	[sflag:s29] =	ssyncset.done $0x0  }
0x11d: {  	[sflag:s29] =	ssyncadd.s32 $0xFFFFFF80  }
0x11e: {  	_ =	swait.ge [sflag:s29], $0x80  }
0x11f: {  	[sflag:s29] =	ssyncset.done $0x0  }
0x120: {  	[sflag:s29] =	ssyncadd.s32 $0xFFFFFF80  }
0x121: {  	_ =	swait.ge [sflag:s29], $0x80  }
0x122: {  	[sflag:s29] =	ssyncset.done $0x0  }
0x123: {  	[sflag:s29] =	ssyncadd.s32 $0xFFFFFF80  }
0x124: {  	_ =	swait.ge [sflag:s29], $0x80  }
0x125: {  	[sflag:s29] =	ssyncset.done $0x0  }
0x126: {  	[sflag:s29] =	ssyncadd.s32 $0xFFFFFF80  }
0x127: {  	_ =	swait.ge [sflag:s29], $0x80  }
0x128: {  	[sflag:s29] =	ssyncset.done $0x0  }
0x129: {  	[sflag:s29] =	ssyncadd.s32 $0xFFFFFF80  }
0x12a: {  	_ =	swait.ge [sflag:s29], $0x80  }
0x12b: {  	[sflag:s29] =	ssyncset.done $0x0  }
0x12c: {  	[sflag:s29] =	ssyncadd.s32 $0xFFFFFF80  }
0x12d: {  	_ =	swait.ge [sflag:s29], $0x80  }
0x12e: {  	[sflag:s29] =	ssyncset.done $0x0  }
0x12f: {  	[sflag:s29] =	ssyncadd.s32 $0xFFFFFF80  }
0x130: {  	_ =	swait.ge [sflag:s29], $0x80  }
0x131: {  	[sflag:s29] =	ssyncset.done $0x0  }
0x132: {  	[sflag:s29] =	ssyncadd.s32 $0xFFFFFF80  }
0x133: {  	_ =	swait.ge [sflag:s29], $0x80  }
0x134: {  	[sflag:s29] =	ssyncset.done $0x0  }
0x135: {  	[sflag:s29] =	ssyncadd.s32 $0xFFFFFF80  }
0x136: {  	_ =	swait.ge [sflag:s29], $0x80  }
0x137: {  	[sflag:s29] =	ssyncset.done $0x0  }
0x138: {  	[sflag:s29] =	ssyncadd.s32 $0xFFFFFF80  }
0x139: {  	_ =	swait.ge [sflag:s29], $0x80  }
0x13a: {  	[sflag:s29] =	ssyncset.done $0x0  }
0x13b: {  	[sflag:s29] =	ssyncadd.s32 $0xFFFFFF80  }
0x13c: {  	_ =	swait.ge [sflag:s29], $0x80  }
0x13d: {  	[sflag:s29] =	ssyncset.done $0x0  }
0x13e: {  	[sflag:s29] =	ssyncadd.s32 $0xFFFFFF80  }
0x13f: {  	_ =	swait.ge [sflag:s29], $0x80  }
0x140: {  	[sflag:s29] =	ssyncset.done $0x0  }
0x141: {  	[sflag:s29] =	ssyncadd.s32 $0xFFFFFF80  }
0x142: {  	_ =	swait.ge [sflag:s29], $0x80  }
0x143: {  	[sflag:s29] =	ssyncset.done $0x0  }
0x144: {  	[sflag:s29] =	ssyncadd.s32 $0xFFFFFF80  }
0x145: {  	_ =	swait.ge [sflag:s29], $0x80  }
0x146: {  	[sflag:s29] =	ssyncset.done $0x0  }
0x147: {  	[sflag:s29] =	ssyncadd.s32 $0xFFFFFF80  }
0x148: {  	_ =	swait.ge [sflag:s29], $0x80  }
0x149: {  	[sflag:s29] =	ssyncset.done $0x0  }
0x14a: {  	[sflag:s29] =	ssyncadd.s32 $0xFFFFFF80  }
0x14b: {  	_ =	swait.ge [sflag:s29], $0x80  }
0x14c: {  	[sflag:s29] =	ssyncset.done $0x0  }
0x14d: {  	[sflag:s29] =	ssyncadd.s32 $0xFFFFFF80  }
0x14e: {  	_ =	swait.ge [sflag:s29], $0x80  }
0x14f: {  	[sflag:s29] =	ssyncset.done $0x0  }
0x150: {  	[sflag:s29] =	ssyncadd.s32 $0xFFFFFF80  }
0x151: {  	_ =	swait.ge [sflag:s29], $0x80  }
0x152: {  	[sflag:s29] =	ssyncset.done $0x0  }
0x153: {  	[sflag:s29] =	ssyncadd.s32 $0xFFFFFF80  }
0x154: {  	_ =	swait.ge [sflag:s29], $0x80  }
0x155: {  	[sflag:s29] =	ssyncset.done $0x0  }
0x156: {  	[sflag:s29] =	ssyncadd.s32 $0xFFFFFF80  }
0x157: {  	_ =	swait.ge [sflag:s29], $0x80  }
0x158: {  	[sflag:s29] =	ssyncset.done $0x0  }
0x159: {  	[sflag:s29] =	ssyncadd.s32 $0xFFFFFF80  }
0x15a: {  	_ =	swait.ge [sflag:s29], $0x80  }
0x15b: {  	[sflag:s29] =	ssyncset.done $0x0  }
0x15c: {  	[sflag:s29] =	ssyncadd.s32 $0xFFFFFF80  }
0x15d: {  	_ =	swait.ge [sflag:s29], $0x80  }
0x15e: {  	[sflag:s29] =	ssyncset.done $0x0  }
0x15f: {  	[sflag:s29] =	ssyncadd.s32 $0xFFFFFF80  }
0x160: {  	_ =	swait.ge [sflag:s29], $0x80  }
0x161: {  	[sflag:s29] =	ssyncset.done $0x0  }
0x162: {  	[sflag:s29] =	ssyncadd.s32 $0xFFFFFF80  }
0x163: {  	_ =	swait.ge [sflag:s29], $0x80  }
0x164: {  	[sflag:s29] =	ssyncset.done $0x0  }
0x165: {  	[sflag:s29] =	ssyncadd.s32 $0xFFFFFF80  }
0x166: {  	_ =	swait.ge [sflag:s29], $0x80  }
0x167: {  	[sflag:s29] =	ssyncset.done $0x0  }
0x168: {  	[sflag:s29] =	ssyncadd.s32 $0xFFFFFF80  }
0x169: {  	_ =	swait.ge [sflag:s29], $0x80  }
0x16a: {  	[sflag:s29] =	ssyncset.done $0x0  }
0x16b: {  	[sflag:s29] =	ssyncadd.s32 $0xFFFFFF80  }
0x16c: {  	_ =	swait.ge [sflag:s29], $0x80  }
0x16d: {  	[sflag:s29] =	ssyncset.done $0x0  }
0x16e: {  	[sflag:s29] =	ssyncadd.s32 $0xFFFFFF80  }
0x16f: {  	_ =	swait.ge [sflag:s29], $0x80  }
0x170: {  	[sflag:s29] =	ssyncset.done $0x0  }
0x171: {  	[sflag:s29] =	ssyncadd.s32 $0xFFFFFF80  }
0x172: {  	_ =	swait.ge [sflag:s29], $0x80  }
0x173: {  	[sflag:s29] =	ssyncset.done $0x0  }
0x174: {  	[sflag:s29] =	ssyncadd.s32 $0xFFFFFF80  }
0x175: {  	_ =	swait.ge [sflag:s29], $0x80  }
0x176: {  	[sflag:s29] =	ssyncset.done $0x0  }
0x177: {  	[sflag:s29] =	ssyncadd.s32 $0xFFFFFF80  }
0x178: {  	_ =	swait.ge [sflag:s29], $0x80  }
0x179: {  	[sflag:s29] =	ssyncset.done $0x0  }
0x17a: {  	[sflag:s29] =	ssyncadd.s32 $0xFFFFFF80  }
0x17b: {  	_ =	swait.ge [sflag:s29], $0x80  }
0x17c: {  	[sflag:s29] =	ssyncset.done $0x0  }
0x17d: {  	[sflag:s29] =	ssyncadd.s32 $0xFFFFFF80  }
0x17e: {  	_ =	swait.ge [sflag:s29], $0x80  }
0x17f: {  	[sflag:s29] =	ssyncset.done $0x0  }
0x180: {  	[sflag:s29] =	ssyncadd.s32 $0xFFFFFF80  }
0x181: {  	_ =	swait.ge [sflag:s29], $0x80  }
0x182: {  	[sflag:s29] =	ssyncset.done $0x0  }
0x183: {  	[sflag:s29] =	ssyncadd.s32 $0xFFFFFF80  }
0x184: {  	_ =	swait.ge [sflag:s29], $0x80  }
0x185: {  	[sflag:s29] =	ssyncset.done $0x0  }
0x186: {  	[sflag:s29] =	ssyncadd.s32 $0xFFFFFF80  }
0x187: {  	_ =	swait.ge [sflag:s29], $0x80  }
0x188: {  	[sflag:s29] =	ssyncset.done $0x0  }
0x189: {  	[sflag:s29] =	ssyncadd.s32 $0xFFFFFF80  }
0x18a: {  	_ =	swait.ge [sflag:s29], $0x80  }
0x18b: {  	[sflag:s29] =	ssyncset.done $0x0  }
0x18c: {  	[sflag:s29] =	ssyncadd.s32 $0xFFFFFF80  }
0x18d: {  	_ =	swait.ge [sflag:s29], $0x80  }
0x18e: {  	[sflag:s29] =	ssyncset.done $0x0  }
0x18f: {  	[sflag:s29] =	ssyncadd.s32 $0xFFFFFF80  }
0x190: {  	_ =	swait.ge [sflag:s29], $0x80  }
0x191: {  	[sflag:s29] =	ssyncset.done $0x0  }
0x192: {  	[sflag:s29] =	ssyncadd.s32 $0xFFFFFF80  }
0x193: {  	_ =	swait.ge [sflag:s29], $0x80  }
0x194: {  	[sflag:s29] =	ssyncset.done $0x0  }
0x195: {  	[sflag:s29] =	ssyncadd.s32 $0xFFFFFF80  }
0x196: {  	_ =	swait.ge [sflag:s29], $0x80  }
0x197: {  	[sflag:s29] =	ssyncset.done $0x0  }
0x198: {  	[sflag:s29] =	ssyncadd.s32 $0xFFFFFF80  }
0x199: {  	_ =	swait.ge [sflag:s29], $0x80  }
0x19a: {  	[sflag:s29] =	ssyncset.done $0x0  }
0x19b: {  	[sflag:s29] =	ssyncadd.s32 $0xFFFFFF80  }
0x19c: {  	_ =	swait.ge [sflag:s29], $0x80  }
0x19d: {  	[sflag:s29] =	ssyncset.done $0x0  }
0x19e: {  	[sflag:s29] =	ssyncadd.s32 $0xFFFFFF80  }
0x19f: {  	[bflag:$0x0] =	sbarrier.arrive $0xFFFF  }
0x1a0: {  	s17 =	simm.s32 @!p1 $0x7880;
	s18 =	rddreg [dreg:$0xb]  }
0x1a1: {  	[tilespmem:s17], [sflag:$0x3] =	stream.linear.gather @!p1 [spmem:s18], $0x80, $0x38;
	[tilespmem:$0x7990] =	vst v63  }
0x1a2: {  	s18 =	simm.s32 @!p1 $0x3  }
0x1a3: {  	_ =	swait.ge @!p1 [sflag:s18], $0x80  }
0x1a4: {  	[sflag:s18] =	ssyncset.done @!p1 $0x0  }
0x1a5: {  	s21 =	simm.s32 @!p1 $0x0;
	s26 =	rddreg [dreg:$0xc];
	[sflag:s18] =	ssyncadd.s32 @!p1 $0xFFFFFF80  }
0x1a6: {  	[hbm4b:s26+s21] =	stream.linear.scatter @!p1 [tilespmem:s17], [sflag:$0x3], $0x80, $0x38;
	[tilespmem:$0x7990] =	vst v63  }
0x1a7: {  	_ =	swait.ge @!p1 [sflag:s18], $0x80  }
0x1a8: {  	[sflag:s18] =	ssyncset.done @!p1 $0x0  }
0x1a9: {  	s26 =	rddreg [dreg:$0xd];
	[sflag:s18] =	ssyncadd.s32 @!p1 $0xFFFFFF80  }
0x1aa: {  	[tilespmem:s17], [sflag:$0x3] =	stream.linear.gather @!p1 [spmem:s26], $0x80, $0x38;
	[tilespmem:$0x7990] =	vst v63  }
0x1ab: {  	_ =	swait.ge @!p1 [sflag:s18], $0x80  }
0x1ac: {  	[sflag:s18] =	ssyncset.done @!p1 $0x0  }
0x1ad: {  	s26 =	rddreg [dreg:$0xe];
	[sflag:s18] =	ssyncadd.s32 @!p1 $0xFFFFFF80  }
0x1ae: {  	[hbm4b:s26+s21] =	stream.linear.scatter @!p1 [tilespmem:s17], [sflag:$0x3], $0x80, $0x38;
	[tilespmem:$0x7990] =	vst v63  }
0x1af: {  	_ =	swait.ge @!p1 [sflag:s18], $0x80  }
0x1b0: {  	s0 =	sadd.s32 $0x1, s0;
	s30 =	rddreg [dreg:$0xf]  }
0x1b1: {  	p2 =	sne.s32 s0, s30  }
.Ltmp4:
0x1b2: {  	_ = 	snop;
	(pc) =	sbr.rel @p2 .LBB2_1-.Ltmp4, $3  }
0x1b3: {  	_ =	sdelay $0x1  }
0x1b4: {  	[sflag:s18] =	ssyncset.done @!p1 $0x0  }
0x1b5: {  	[sflag:s18] =	ssyncadd.s32 @!p1 $0xFFFFFF80  }
0x1b6: {  	_ =	sfence.sel $0x180000  }
0x1b7: {  	[bflag:$0x0] =	sbarrier.arrive $0xFFFF  }
0x1b8: {  	_ =	strace $0x90000047  }
0x1b9: {  	[bflag:$0x2] =	sbarrier.arrive $0xFFFF  }
0x1ba: {  	s0 =	rddreg [dreg:$0x3]  }
0x1bb: {  	s0 =	sadd.s32 @!p0 $0x100000, s0  }
0x1bc: {  	[sflag:s0] =	ssyncadd.tile.s32 @!p0 $0x1;
	_ =	shalt  }
.Lfunc_end2:
_tile_overlayer_lowered:
.L_overlay_start_2:
0x1bd: {  	(tag) =	ssettag $0x2  }
0x1be: {  	s0 =	rddreg [dreg:$0x0];
	s2 =	stileid.u32  }
0x1bf: {  	s1 =	rddreg [dreg:$0x1];
	p0 =	sne.s32 s2, $0x0  }
0x1c0: {  	s3 =	rddreg [dreg:$0x2];
	[bflag:$0x3] =	sbarrier.arrive $0xFFFF;
	s2 =	simm.s32 @!p0 $0x1C03  }
0x1c1: {  	[timem:s3], [sflag:s2] =	dma.local @!p0 [hbm:s0], s1  }
0x1c2: {  	s0 =	simm.s32 @!p0 $0x3  }
0x1c3: {  	_ =	swait.ge @!p0 [sflag:s0], s1  }
0x1c4: {  	s1 =	ssub.s32 @!p0 $0x0, s1;
	[sflag:s0] =	ssyncset.done @!p0 $0x0  }
0x1c5: {  	[sflag:s0] =	ssyncadd.s32 @!p0 s1  }
0x1c6: {  	[bflag:$0x3] =	sbarrier.arrive $0xFFFF  }
0x1c7: {  	_ =	shalt  }

</sc_bundles>
